<compile_context>
chip_gen: v7x
topology: tpu7x:2x2x1
jax: 0.10.2.dev20260603
libtpu: 0.0.44.dev20260713+nightly
codegen_flags: <defaults>
</compile_context>

<pallas_src>
import functools

import jax
import jax.numpy as jnp
import numpy as np
from jax import lax
from jax.experimental import pallas as pl
from jax.experimental.pallas import tpu as pltpu
from jax.experimental.pallas import tpu_sc as plsc

B = 16384
F = 26
D = 16
BF = B * F

NC = 2
NS = 16
NW = NC * NS
PER_W = BF // NW
CH = 1664
NCHUNK = PER_W // CH


def _sc_gather(ids, fmw, fmv):
    mesh = plsc.VectorSubcoreMesh(core_axis_name="c", subcore_axis_name="s")

    @functools.partial(
        pl.kernel,
        mesh=mesh,
        compiler_params=pltpu.CompilerParams(use_tc_tiling_on_sc=False),
        out_type=(
            jax.ShapeDtypeStruct((BF, D), jnp.float32),
            jax.ShapeDtypeStruct((BF,), jnp.float32),
        ),
        scratch_types=[
            pltpu.VMEM((PER_W,), jnp.int32),
            pltpu.VMEM((CH, D), jnp.float32),
            pltpu.VMEM((CH, D), jnp.float32),
            pltpu.VMEM((PER_W,), jnp.float32),
            pltpu.SemaphoreType.DMA,
            pltpu.SemaphoreType.DMA,
            pltpu.SemaphoreType.DMA,
            pltpu.SemaphoreType.DMA,
            pltpu.SemaphoreType.DMA,
        ],
    )
    def gk(ids_hbm, fmw_hbm, fmv_hbm, emb_hbm, w_hbm,
           idx_v, rows_v0, rows_v1, w_v, semg0, semg1, semo0, semo1, sem_w):
        wid = lax.axis_index("s") * NC + lax.axis_index("c")
        base = wid * PER_W
        rows = [rows_v0, rows_v1]
        semg = [semg0, semg1]
        semo = [semo0, semo1]
        pltpu.sync_copy(ids_hbm.at[pl.ds(base, PER_W)], idx_v)
        wcopy = pltpu.async_copy(fmw_hbm.at[idx_v], w_v, sem_w)

        def gstart(c):
            return pltpu.async_copy(
                fmv_hbm.at[idx_v.at[pl.ds(c * CH, CH)]], rows[c % 2],
                semg[c % 2])

        gcopies = {0: gstart(0)}
        ocopies = {}
        for c in range(NCHUNK):
            b = c % 2
            if c + 1 < NCHUNK:
                gcopies[c + 1] = gstart(c + 1)
            gcopies[c].wait()
            if c >= 2:
                ocopies[c - 2].wait()
            ocopies[c] = pltpu.async_copy(
                rows[b], emb_hbm.at[pl.ds(base + c * CH, CH)], semo[b])
        ocopies[NCHUNK - 2].wait()
        ocopies[NCHUNK - 1].wait()
        wcopy.wait()
        pltpu.sync_copy(w_v, w_hbm.at[pl.ds(base, PER_W)])

    return gk(ids, fmw, fmv)


BLK = 1024
GRID = B // BLK


def _tc_mlp(emb, vals, w, S, T, W0, b0, W1, b1, W2, b2, Wo, bfin):
    def mk(emb_r, vals_r, w_r, S_r, T_r, W0r, b0r, W1r, b1r, W2r, b2r, Wor,
           bfr, out_r):
        vals_b = vals_r[...]
        y_w = jnp.sum(w_r[...] * vals_b, axis=1, keepdims=True)
        vr = jnp.dot(vals_b, S_r[...], preferred_element_type=jnp.float32,
                     precision=lax.Precision.HIGHEST)
        x = emb_r[...] * vr
        sv = jnp.dot(x, T_r[...], preferred_element_type=jnp.float32,
                     precision=lax.Precision.HIGHEST)
        y_v = 0.5 * (jnp.sum(sv * sv, axis=1, keepdims=True)
                     - jnp.sum(x * x, axis=1, keepdims=True))
        xb = x.astype(jnp.bfloat16)
        h = jnp.maximum(jnp.dot(xb, W0r[...],
                                preferred_element_type=jnp.float32) + b0r[...], 0.0)
        h = jnp.maximum(jnp.dot(h.astype(jnp.bfloat16), W1r[...],
                                preferred_element_type=jnp.float32) + b1r[...], 0.0)
        h = jnp.maximum(jnp.dot(h.astype(jnp.bfloat16), W2r[...],
                                preferred_element_type=jnp.float32) + b2r[...], 0.0)
        y_d = jnp.dot(h, Wor[...], preferred_element_type=jnp.float32)
        y = y_w + y_v + y_d + bfr[...]
        out_r[...] = jax.nn.sigmoid(y)

    full = lambda a: pl.BlockSpec(a.shape, lambda i: (0,) * a.ndim)
    return pl.pallas_call(
        mk,
        grid=(GRID,),
        in_specs=[
            pl.BlockSpec((BLK, F * D), lambda i: (i, 0)),
            pl.BlockSpec((BLK, F), lambda i: (i, 0)),
            pl.BlockSpec((BLK, F), lambda i: (i, 0)),
            full(S), full(T), full(W0), full(b0), full(W1), full(b1),
            full(W2), full(b2), full(Wo), full(bfin),
        ],
        out_specs=pl.BlockSpec((BLK, 1), lambda i: (i, 0)),
        out_shape=jax.ShapeDtypeStruct((B, 1), jnp.float32),
    )(emb, vals, w, S, T, W0, b0, W1, b1, W2, b2, Wo, bfin)


def kernel(feat_ids, feat_vals, FM_B, FM_W, FM_V, params):
    ids = feat_ids.reshape(-1).astype(jnp.int32)
    emb_flat, w_flat = _sc_gather(ids, FM_W, FM_V)
    emb = emb_flat.reshape(B, F * D)
    w = w_flat.reshape(B, F)

    a = [params[f"gamma{i}"] * lax.rsqrt(params[f"var{i}"] + 1e-3)
         for i in range(3)]
    c = [params[f"beta{i}"] - params[f"mean{i}"] * a[i] for i in range(3)]
    W0, b0 = params["W0"], params["b0"]
    W1 = a[0][:, None] * params["W1"]
    b1 = c[0] @ params["W1"] + params["b1"]
    W2 = a[1][:, None] * params["W2"]
    b2 = c[1] @ params["W2"] + params["b2"]
    Wo = a[2][:, None] * params["W_out"]
    bfin = c[2] @ params["W_out"] + params["b_out"] + FM_B

    S = jnp.asarray(np.repeat(np.eye(F, dtype=np.float32), D, axis=1))
    T = jnp.asarray(np.tile(np.eye(D, dtype=np.float32), (F, 1)))

    pred = _tc_mlp(
        emb, feat_vals, w, S, T,
        W0.astype(jnp.bfloat16), b0.reshape(1, -1),
        W1.astype(jnp.bfloat16), b1.reshape(1, -1),
        W2.astype(jnp.bfloat16), b2.reshape(1, -1), Wo, bfin.reshape(1, 1),
    )
    return pred.reshape(-1)

# --- scband reference (transcript-rebuilt; emitter-appended) ---
"""Pipeline reference for scband-deep-fm-17377437680085 (READ-ONLY COPY).

The authoritative reference and input builder live on the scoring server;
editing this copy changes nothing except your own understanding.
"""

import jax, jax.numpy as jnp
import numpy as np

B = 16384
F = 26
V = 1000000
D = 16
HIDDEN = [400, 400, 400]


def setup_inputs(seed: int = 0) -> dict:
    key = jax.random.key(seed)
    ks = jax.random.split(key, 16)
    feat_ids = jax.random.randint(ks[0], (B, F), 0, V, dtype=jnp.int64 if jax.config.jax_enable_x64 else jnp.int32)
    feat_vals = jax.random.uniform(ks[1], (B, F), dtype=jnp.float32)
    FM_B = jnp.zeros((1,), jnp.float32)
    FM_W = jax.random.normal(ks[2], (V,), dtype=jnp.float32) * 0.01
    FM_V = jax.random.normal(ks[3], (V, D), dtype=jnp.float32) * 0.01
    params = {}
    in_dim = F * D
    for i, h in enumerate(HIDDEN):
        params[f"W{i}"] = jax.random.normal(ks[4 + 2 * i], (in_dim, h), dtype=jnp.float32) * (1.0 / np.sqrt(in_dim))
        params[f"b{i}"] = jnp.zeros((h,), jnp.float32)
        params[f"gamma{i}"] = jnp.ones((h,), jnp.float32)
        params[f"beta{i}"] = jnp.zeros((h,), jnp.float32)
        params[f"mean{i}"] = jnp.zeros((h,), jnp.float32)
        params[f"var{i}"] = jnp.ones((h,), jnp.float32)
        in_dim = h
    params["W_out"] = jax.random.normal(ks[12], (in_dim, 1), dtype=jnp.float32) * 0.05
    params["b_out"] = jnp.zeros((1,), jnp.float32)
    return {"feat_ids": feat_ids, "feat_vals": feat_vals, "FM_B": FM_B, "FM_W": FM_W, "FM_V": FM_V, "params": params}


def reference(feat_ids, feat_vals, FM_B, FM_W, FM_V, params):
    # First-order: w_i * x_i
    feat_wgts = jnp.take(FM_W, feat_ids, axis=0)               # [B, F]
    y_w = jnp.sum(feat_wgts * feat_vals, axis=1)               # [B]
    # Second-order FM interaction
    embeddings = jnp.take(FM_V, feat_ids, axis=0)              # [B, F, D]
    embeddings = embeddings * feat_vals[:, :, None]            # [B, F, D]
    sum_square = jnp.square(jnp.sum(embeddings, axis=1))       # [B, D]
    square_sum = jnp.sum(jnp.square(embeddings), axis=1)       # [B, D]
    y_v = 0.5 * jnp.sum(sum_square - square_sum, axis=1)       # [B]
    # Deep part (inference-mode batch norm with stored statistics)
    x = embeddings.reshape(-1, F * D)
    for i in range(len(HIDDEN)):
        x = x @ params[f"W{i}"] + params[f"b{i}"]
        x = jax.nn.relu(x)
        x = (x - params[f"mean{i}"]) / jnp.sqrt(params[f"var{i}"] + 1e-3)
        x = x * params[f"gamma{i}"] + params[f"beta{i}"]
    y_d = (x @ params["W_out"] + params["b_out"]).reshape(-1)  # [B]
    y_bias = FM_B * jnp.ones_like(y_d)
    y = y_bias + y_w + y_v + y_d
    pred = jax.nn.sigmoid(y)
    return pred

if __name__ == "__main__":
    import jax
    _d = setup_inputs()
    print(jax.jit(kernel)(*tuple(_d.values())))

</pallas_src>

<mosaic_0001>
#map = affine_map<(d0, d1) -> (0)>
#map1 = affine_map<(d0, d1) -> (0, 0)>
module attributes {stable_mosaic.version = 14 : i64} {
  func.func @gk(%arg0: i32, %arg1: i32, %arg2: memref<425984xi32, #tpu.memory_space<hbm>>, %arg3: memref<1000000xf32, #tpu.memory_space<hbm>>, %arg4: memref<1000000x16xf32, #tpu.memory_space<hbm>>, %arg5: memref<425984x16xf32, #tpu.memory_space<hbm>>, %arg6: memref<425984xf32, #tpu.memory_space<hbm>>, %arg7: memref<13312xi32, #tpu.memory_space<vmem>>, %arg8: memref<1664x16xf32, #tpu.memory_space<vmem>>, %arg9: memref<1664x16xf32, #tpu.memory_space<vmem>>, %arg10: memref<13312xf32, #tpu.memory_space<vmem>>, %arg11: memref<!tpu.dma_semaphore, #tpu.memory_space<semaphore_mem>>, %arg12: memref<!tpu.dma_semaphore, #tpu.memory_space<semaphore_mem>>, %arg13: memref<!tpu.dma_semaphore, #tpu.memory_space<semaphore_mem>>, %arg14: memref<!tpu.dma_semaphore, #tpu.memory_space<semaphore_mem>>, %arg15: memref<!tpu.dma_semaphore, #tpu.memory_space<semaphore_mem>>) attributes {dimension_semantics = [#tpu.dimension_semantics<core_parallel>, #tpu.dimension_semantics<subcore_parallel>], iteration_bounds = array<i64: 2, 16>, scalar_prefetch = 0 : i64, scratch_operands = 9 : i64, tpu.core_type = #tpu.core_type<sc_vector_subcore>, window_params = [{transform_indices = #map}, {transform_indices = #map}, {transform_indices = #map1}, {transform_indices = #map1}, {transform_indices = #map}]} {
    %mul3A = arith.constant 2 : i32
    %mul3A_0 = arith.muli %arg1, %mul3A : i32
    %add3A = arith.addi %mul3A_0, %arg0 : i32
    %mul3A_1 = arith.constant 13312 : i32
    %mul3A_2 = arith.muli %add3A, %mul3A_1 : i32
    "tpu.region"() ({
      %run_scoped3A = tpu.sem_alloc : memref<!tpu.dma_semaphore, #tpu.memory_space<semaphore_mem>>
      %dma_start3A_165 = tpu.memref_slice %arg2[%mul3A_2] : memref<425984xi32, #tpu.memory_space<hbm>> -> memref<13312xi32, #tpu.memory_space<hbm>>
      %dma_start3A_166 = tpu.memref_slice %arg2[%mul3A_2] : memref<425984xi32, #tpu.memory_space<hbm>> -> memref<13312xi32, #tpu.memory_space<hbm>>
      tpu.enqueue_dma source(%dma_start3A_166 : memref<13312xi32, #tpu.memory_space<hbm>>) target(%arg7 : memref<13312xi32, #tpu.memory_space<vmem>>) target_semaphore(%run_scoped3A : memref<!tpu.dma_semaphore, #tpu.memory_space<semaphore_mem>>)
      %dma_wait3A_167 = tpu.memref_slice %arg2[%mul3A_2] : memref<425984xi32, #tpu.memory_space<hbm>> -> memref<13312xi32, #tpu.memory_space<hbm>>
      %dma_wait3A_168 = tpu.memref_slice %arg2[%mul3A_2] : memref<425984xi32, #tpu.memory_space<hbm>> -> memref<13312xi32, #tpu.memory_space<hbm>>
      tpu.wait_dma2 semaphore(%run_scoped3A : memref<!tpu.dma_semaphore, #tpu.memory_space<semaphore_mem>>) src(%dma_wait3A_168 : memref<13312xi32, #tpu.memory_space<hbm>>) dst(%arg7 : memref<13312xi32, #tpu.memory_space<vmem>>)
      tpu.yield
    }) : () -> ()
    %dma_start3A = arith.constant 0 : i32
    %dma_start3A_3 = tpu.memref_slice %arg3[%dma_start3A] : memref<1000000xf32, #tpu.memory_space<hbm>> -> memref<1000000xf32, #tpu.memory_space<hbm>>
    tpu.enqueue_indirect_dma source(%dma_start3A_3 : memref<1000000xf32, #tpu.memory_space<hbm>>) target(%arg10 : memref<13312xf32, #tpu.memory_space<vmem>>) offsets(%arg7 : memref<13312xi32, #tpu.memory_space<vmem>>) semaphore(%arg15 : memref<!tpu.dma_semaphore, #tpu.memory_space<semaphore_mem>>)
    %dma_start3A_4 = arith.constant 0 : i32
    %dma_start3A_5 = tpu.memref_slice %arg7[%dma_start3A_4] : memref<13312xi32, #tpu.memory_space<vmem>> -> memref<1664xi32, #tpu.memory_space<vmem>>
    %dma_start3A_6 = arith.constant 0 : i32
    %dma_start3A_7 = arith.constant 0 : i32
    %dma_start3A_8 = tpu.memref_slice %arg4[%dma_start3A_6, %dma_start3A_7] : memref<1000000x16xf32, #tpu.memory_space<hbm>> -> memref<1000000x16xf32, #tpu.memory_space<hbm>>
    tpu.enqueue_indirect_dma source(%dma_start3A_8 : memref<1000000x16xf32, #tpu.memory_space<hbm>>) target(%arg8 : memref<1664x16xf32, #tpu.memory_space<vmem>>) offsets(%dma_start3A_5 : memref<1664xi32, #tpu.memory_space<vmem>>) semaphore(%arg11 : memref<!tpu.dma_semaphore, #tpu.memory_space<semaphore_mem>>)
    %dma_start3A_9 = arith.constant 1664 : i32
    %dma_start3A_10 = tpu.memref_slice %arg7[%dma_start3A_9] : memref<13312xi32, #tpu.memory_space<vmem>> -> memref<1664xi32, #tpu.memory_space<vmem>>
    %dma_start3A_11 = arith.constant 0 : i32
    %dma_start3A_12 = arith.constant 0 : i32
    %dma_start3A_13 = tpu.memref_slice %arg4[%dma_start3A_11, %dma_start3A_12] : memref<1000000x16xf32, #tpu.memory_space<hbm>> -> memref<1000000x16xf32, #tpu.memory_space<hbm>>
    tpu.enqueue_indirect_dma source(%dma_start3A_13 : memref<1000000x16xf32, #tpu.memory_space<hbm>>) target(%arg9 : memref<1664x16xf32, #tpu.memory_space<vmem>>) offsets(%dma_start3A_10 : memref<1664xi32, #tpu.memory_space<vmem>>) semaphore(%arg12 : memref<!tpu.dma_semaphore, #tpu.memory_space<semaphore_mem>>)
    %dma_wait3A = arith.constant 0 : i32
    %dma_wait3A_14 = tpu.memref_slice %arg7[%dma_wait3A] : memref<13312xi32, #tpu.memory_space<vmem>> -> memref<1664xi32, #tpu.memory_space<vmem>>
    %dma_wait3A_15 = arith.constant 0 : i32
    %dma_wait3A_16 = arith.constant 0 : i32
    %dma_wait3A_17 = tpu.memref_slice %arg4[%dma_wait3A_15, %dma_wait3A_16] : memref<1000000x16xf32, #tpu.memory_space<hbm>> -> memref<1000000x16xf32, #tpu.memory_space<hbm>>
    tpu.wait_indirect_dma semaphore(%arg11 : memref<!tpu.dma_semaphore, #tpu.memory_space<semaphore_mem>>) src(%dma_wait3A_17 : memref<1000000x16xf32, #tpu.memory_space<hbm>>) dst(%arg8 : memref<1664x16xf32, #tpu.memory_space<vmem>>)
    %add3A_18 = arith.constant 0 : i32
    %add3A_19 = arith.addi %mul3A_2, %add3A_18 : i32
    %dma_start3A_20 = arith.constant 0 : i32
    %dma_start3A_21 = tpu.memref_slice %arg5[%add3A_19, %dma_start3A_20] : memref<425984x16xf32, #tpu.memory_space<hbm>> -> memref<1664x16xf32, #tpu.memory_space<hbm>>
    %dma_start3A_22 = arith.constant 0 : i32
    %dma_start3A_23 = tpu.memref_slice %arg5[%add3A_19, %dma_start3A_22] : memref<425984x16xf32, #tpu.memory_space<hbm>> -> memref<1664x16xf32, #tpu.memory_space<hbm>>
    tpu.enqueue_dma source(%arg8 : memref<1664x16xf32, #tpu.memory_space<vmem>>) target(%dma_start3A_23 : memref<1664x16xf32, #tpu.memory_space<hbm>>) target_semaphore(%arg13 : memref<!tpu.dma_semaphore, #tpu.memory_space<semaphore_mem>>)
    %dma_start3A_24 = arith.constant 3328 : i32
    %dma_start3A_25 = tpu.memref_slice %arg7[%dma_start3A_24] : memref<13312xi32, #tpu.memory_space<vmem>> -> memref<1664xi32, #tpu.memory_space<vmem>>
    %dma_start3A_26 = arith.constant 0 : i32
    %dma_start3A_27 = arith.constant 0 : i32
    %dma_start3A_28 = tpu.memref_slice %arg4[%dma_start3A_26, %dma_start3A_27] : memref<1000000x16xf32, #tpu.memory_space<hbm>> -> memref<1000000x16xf32, #tpu.memory_space<hbm>>
    tpu.enqueue_indirect_dma source(%dma_start3A_28 : memref<1000000x16xf32, #tpu.memory_space<hbm>>) target(%arg8 : memref<1664x16xf32, #tpu.memory_space<vmem>>) offsets(%dma_start3A_25 : memref<1664xi32, #tpu.memory_space<vmem>>) semaphore(%arg11 : memref<!tpu.dma_semaphore, #tpu.memory_space<semaphore_mem>>)
    %dma_wait3A_29 = arith.constant 1664 : i32
    %dma_wait3A_30 = tpu.memref_slice %arg7[%dma_wait3A_29] : memref<13312xi32, #tpu.memory_space<vmem>> -> memref<1664xi32, #tpu.memory_space<vmem>>
    %dma_wait3A_31 = arith.constant 0 : i32
    %dma_wait3A_32 = arith.constant 0 : i32
    %dma_wait3A_33 = tpu.memref_slice %arg4[%dma_wait3A_31, %dma_wait3A_32] : memref<1000000x16xf32, #tpu.memory_space<hbm>> -> memref<1000000x16xf32, #tpu.memory_space<hbm>>
    tpu.wait_indirect_dma semaphore(%arg12 : memref<!tpu.dma_semaphore, #tpu.memory_space<semaphore_mem>>) src(%dma_wait3A_33 : memref<1000000x16xf32, #tpu.memory_space<hbm>>) dst(%arg9 : memref<1664x16xf32, #tpu.memory_space<vmem>>)
    %add3A_34 = arith.constant 1664 : i32
    %add3A_35 = arith.addi %mul3A_2, %add3A_34 : i32
    %dma_start3A_36 = arith.constant 0 : i32
    %dma_start3A_37 = tpu.memref_slice %arg5[%add3A_35, %dma_start3A_36] : memref<425984x16xf32, #tpu.memory_space<hbm>> -> memref<1664x16xf32, #tpu.memory_space<hbm>>
    %dma_start3A_38 = arith.constant 0 : i32
    %dma_start3A_39 = tpu.memref_slice %arg5[%add3A_35, %dma_start3A_38] : memref<425984x16xf32, #tpu.memory_space<hbm>> -> memref<1664x16xf32, #tpu.memory_space<hbm>>
    tpu.enqueue_dma source(%arg9 : memref<1664x16xf32, #tpu.memory_space<vmem>>) target(%dma_start3A_39 : memref<1664x16xf32, #tpu.memory_space<hbm>>) target_semaphore(%arg14 : memref<!tpu.dma_semaphore, #tpu.memory_space<semaphore_mem>>)
    %dma_start3A_40 = arith.constant 4992 : i32
    %dma_start3A_41 = tpu.memref_slice %arg7[%dma_start3A_40] : memref<13312xi32, #tpu.memory_space<vmem>> -> memref<1664xi32, #tpu.memory_space<vmem>>
    %dma_start3A_42 = arith.constant 0 : i32
    %dma_start3A_43 = arith.constant 0 : i32
    %dma_start3A_44 = tpu.memref_slice %arg4[%dma_start3A_42, %dma_start3A_43] : memref<1000000x16xf32, #tpu.memory_space<hbm>> -> memref<1000000x16xf32, #tpu.memory_space<hbm>>
    tpu.enqueue_indirect_dma source(%dma_start3A_44 : memref<1000000x16xf32, #tpu.memory_space<hbm>>) target(%arg9 : memref<1664x16xf32, #tpu.memory_space<vmem>>) offsets(%dma_start3A_41 : memref<1664xi32, #tpu.memory_space<vmem>>) semaphore(%arg12 : memref<!tpu.dma_semaphore, #tpu.memory_space<semaphore_mem>>)
    %dma_wait3A_45 = arith.constant 3328 : i32
    %dma_wait3A_46 = tpu.memref_slice %arg7[%dma_wait3A_45] : memref<13312xi32, #tpu.memory_space<vmem>> -> memref<1664xi32, #tpu.memory_space<vmem>>
    %dma_wait3A_47 = arith.constant 0 : i32
    %dma_wait3A_48 = arith.constant 0 : i32
    %dma_wait3A_49 = tpu.memref_slice %arg4[%dma_wait3A_47, %dma_wait3A_48] : memref<1000000x16xf32, #tpu.memory_space<hbm>> -> memref<1000000x16xf32, #tpu.memory_space<hbm>>
    tpu.wait_indirect_dma semaphore(%arg11 : memref<!tpu.dma_semaphore, #tpu.memory_space<semaphore_mem>>) src(%dma_wait3A_49 : memref<1000000x16xf32, #tpu.memory_space<hbm>>) dst(%arg8 : memref<1664x16xf32, #tpu.memory_space<vmem>>)
    %dma_wait3A_50 = arith.constant 0 : i32
    %dma_wait3A_51 = tpu.memref_slice %arg5[%add3A_19, %dma_wait3A_50] : memref<425984x16xf32, #tpu.memory_space<hbm>> -> memref<1664x16xf32, #tpu.memory_space<hbm>>
    %dma_wait3A_52 = arith.constant 0 : i32
    %dma_wait3A_53 = tpu.memref_slice %arg5[%add3A_19, %dma_wait3A_52] : memref<425984x16xf32, #tpu.memory_space<hbm>> -> memref<1664x16xf32, #tpu.memory_space<hbm>>
    tpu.wait_dma2 semaphore(%arg13 : memref<!tpu.dma_semaphore, #tpu.memory_space<semaphore_mem>>) src(%arg8 : memref<1664x16xf32, #tpu.memory_space<vmem>>) dst(%dma_wait3A_53 : memref<1664x16xf32, #tpu.memory_space<hbm>>)
    %add3A_54 = arith.constant 3328 : i32
    %add3A_55 = arith.addi %mul3A_2, %add3A_54 : i32
    %dma_start3A_56 = arith.constant 0 : i32
    %dma_start3A_57 = tpu.memref_slice %arg5[%add3A_55, %dma_start3A_56] : memref<425984x16xf32, #tpu.memory_space<hbm>> -> memref<1664x16xf32, #tpu.memory_space<hbm>>
    %dma_start3A_58 = arith.constant 0 : i32
    %dma_start3A_59 = tpu.memref_slice %arg5[%add3A_55, %dma_start3A_58] : memref<425984x16xf32, #tpu.memory_space<hbm>> -> memref<1664x16xf32, #tpu.memory_space<hbm>>
    tpu.enqueue_dma source(%arg8 : memref<1664x16xf32, #tpu.memory_space<vmem>>) target(%dma_start3A_59 : memref<1664x16xf32, #tpu.memory_space<hbm>>) target_semaphore(%arg13 : memref<!tpu.dma_semaphore, #tpu.memory_space<semaphore_mem>>)
    %dma_start3A_60 = arith.constant 6656 : i32
    %dma_start3A_61 = tpu.memref_slice %arg7[%dma_start3A_60] : memref<13312xi32, #tpu.memory_space<vmem>> -> memref<1664xi32, #tpu.memory_space<vmem>>
    %dma_start3A_62 = arith.constant 0 : i32
    %dma_start3A_63 = arith.constant 0 : i32
    %dma_start3A_64 = tpu.memref_slice %arg4[%dma_start3A_62, %dma_start3A_63] : memref<1000000x16xf32, #tpu.memory_space<hbm>> -> memref<1000000x16xf32, #tpu.memory_space<hbm>>
    tpu.enqueue_indirect_dma source(%dma_start3A_64 : memref<1000000x16xf32, #tpu.memory_space<hbm>>) target(%arg8 : memref<1664x16xf32, #tpu.memory_space<vmem>>) offsets(%dma_start3A_61 : memref<1664xi32, #tpu.memory_space<vmem>>) semaphore(%arg11 : memref<!tpu.dma_semaphore, #tpu.memory_space<semaphore_mem>>)
    %dma_wait3A_65 = arith.constant 4992 : i32
    %dma_wait3A_66 = tpu.memref_slice %arg7[%dma_wait3A_65] : memref<13312xi32, #tpu.memory_space<vmem>> -> memref<1664xi32, #tpu.memory_space<vmem>>
    %dma_wait3A_67 = arith.constant 0 : i32
    %dma_wait3A_68 = arith.constant 0 : i32
    %dma_wait3A_69 = tpu.memref_slice %arg4[%dma_wait3A_67, %dma_wait3A_68] : memref<1000000x16xf32, #tpu.memory_space<hbm>> -> memref<1000000x16xf32, #tpu.memory_space<hbm>>
    tpu.wait_indirect_dma semaphore(%arg12 : memref<!tpu.dma_semaphore, #tpu.memory_space<semaphore_mem>>) src(%dma_wait3A_69 : memref<1000000x16xf32, #tpu.memory_space<hbm>>) dst(%arg9 : memref<1664x16xf32, #tpu.memory_space<vmem>>)
    %dma_wait3A_70 = arith.constant 0 : i32
    %dma_wait3A_71 = tpu.memref_slice %arg5[%add3A_35, %dma_wait3A_70] : memref<425984x16xf32, #tpu.memory_space<hbm>> -> memref<1664x16xf32, #tpu.memory_space<hbm>>
    %dma_wait3A_72 = arith.constant 0 : i32
    %dma_wait3A_73 = tpu.memref_slice %arg5[%add3A_35, %dma_wait3A_72] : memref<425984x16xf32, #tpu.memory_space<hbm>> -> memref<1664x16xf32, #tpu.memory_space<hbm>>
    tpu.wait_dma2 semaphore(%arg14 : memref<!tpu.dma_semaphore, #tpu.memory_space<semaphore_mem>>) src(%arg9 : memref<1664x16xf32, #tpu.memory_space<vmem>>) dst(%dma_wait3A_73 : memref<1664x16xf32, #tpu.memory_space<hbm>>)
    %add3A_74 = arith.constant 4992 : i32
    %add3A_75 = arith.addi %mul3A_2, %add3A_74 : i32
    %dma_start3A_76 = arith.constant 0 : i32
    %dma_start3A_77 = tpu.memref_slice %arg5[%add3A_75, %dma_start3A_76] : memref<425984x16xf32, #tpu.memory_space<hbm>> -> memref<1664x16xf32, #tpu.memory_space<hbm>>
    %dma_start3A_78 = arith.constant 0 : i32
    %dma_start3A_79 = tpu.memref_slice %arg5[%add3A_75, %dma_start3A_78] : memref<425984x16xf32, #tpu.memory_space<hbm>> -> memref<1664x16xf32, #tpu.memory_space<hbm>>
    tpu.enqueue_dma source(%arg9 : memref<1664x16xf32, #tpu.memory_space<vmem>>) target(%dma_start3A_79 : memref<1664x16xf32, #tpu.memory_space<hbm>>) target_semaphore(%arg14 : memref<!tpu.dma_semaphore, #tpu.memory_space<semaphore_mem>>)
    %dma_start3A_80 = arith.constant 8320 : i32
    %dma_start3A_81 = tpu.memref_slice %arg7[%dma_start3A_80] : memref<13312xi32, #tpu.memory_space<vmem>> -> memref<1664xi32, #tpu.memory_space<vmem>>
    %dma_start3A_82 = arith.constant 0 : i32
    %dma_start3A_83 = arith.constant 0 : i32
    %dma_start3A_84 = tpu.memref_slice %arg4[%dma_start3A_82, %dma_start3A_83] : memref<1000000x16xf32, #tpu.memory_space<hbm>> -> memref<1000000x16xf32, #tpu.memory_space<hbm>>
    tpu.enqueue_indirect_dma source(%dma_start3A_84 : memref<1000000x16xf32, #tpu.memory_space<hbm>>) target(%arg9 : memref<1664x16xf32, #tpu.memory_space<vmem>>) offsets(%dma_start3A_81 : memref<1664xi32, #tpu.memory_space<vmem>>) semaphore(%arg12 : memref<!tpu.dma_semaphore, #tpu.memory_space<semaphore_mem>>)
    %dma_wait3A_85 = arith.constant 6656 : i32
    %dma_wait3A_86 = tpu.memref_slice %arg7[%dma_wait3A_85] : memref<13312xi32, #tpu.memory_space<vmem>> -> memref<1664xi32, #tpu.memory_space<vmem>>
    %dma_wait3A_87 = arith.constant 0 : i32
    %dma_wait3A_88 = arith.constant 0 : i32
    %dma_wait3A_89 = tpu.memref_slice %arg4[%dma_wait3A_87, %dma_wait3A_88] : memref<1000000x16xf32, #tpu.memory_space<hbm>> -> memref<1000000x16xf32, #tpu.memory_space<hbm>>
    tpu.wait_indirect_dma semaphore(%arg11 : memref<!tpu.dma_semaphore, #tpu.memory_space<semaphore_mem>>) src(%dma_wait3A_89 : memref<1000000x16xf32, #tpu.memory_space<hbm>>) dst(%arg8 : memref<1664x16xf32, #tpu.memory_space<vmem>>)
    %dma_wait3A_90 = arith.constant 0 : i32
    %dma_wait3A_91 = tpu.memref_slice %arg5[%add3A_55, %dma_wait3A_90] : memref<425984x16xf32, #tpu.memory_space<hbm>> -> memref<1664x16xf32, #tpu.memory_space<hbm>>
    %dma_wait3A_92 = arith.constant 0 : i32
    %dma_wait3A_93 = tpu.memref_slice %arg5[%add3A_55, %dma_wait3A_92] : memref<425984x16xf32, #tpu.memory_space<hbm>> -> memref<1664x16xf32, #tpu.memory_space<hbm>>
    tpu.wait_dma2 semaphore(%arg13 : memref<!tpu.dma_semaphore, #tpu.memory_space<semaphore_mem>>) src(%arg8 : memref<1664x16xf32, #tpu.memory_space<vmem>>) dst(%dma_wait3A_93 : memref<1664x16xf32, #tpu.memory_space<hbm>>)
    %add3A_94 = arith.constant 6656 : i32
    %add3A_95 = arith.addi %mul3A_2, %add3A_94 : i32
    %dma_start3A_96 = arith.constant 0 : i32
    %dma_start3A_97 = tpu.memref_slice %arg5[%add3A_95, %dma_start3A_96] : memref<425984x16xf32, #tpu.memory_space<hbm>> -> memref<1664x16xf32, #tpu.memory_space<hbm>>
    %dma_start3A_98 = arith.constant 0 : i32
    %dma_start3A_99 = tpu.memref_slice %arg5[%add3A_95, %dma_start3A_98] : memref<425984x16xf32, #tpu.memory_space<hbm>> -> memref<1664x16xf32, #tpu.memory_space<hbm>>
    tpu.enqueue_dma source(%arg8 : memref<1664x16xf32, #tpu.memory_space<vmem>>) target(%dma_start3A_99 : memref<1664x16xf32, #tpu.memory_space<hbm>>) target_semaphore(%arg13 : memref<!tpu.dma_semaphore, #tpu.memory_space<semaphore_mem>>)
    %dma_start3A_100 = arith.constant 9984 : i32
    %dma_start3A_101 = tpu.memref_slice %arg7[%dma_start3A_100] : memref<13312xi32, #tpu.memory_space<vmem>> -> memref<1664xi32, #tpu.memory_space<vmem>>
    %dma_start3A_102 = arith.constant 0 : i32
    %dma_start3A_103 = arith.constant 0 : i32
    %dma_start3A_104 = tpu.memref_slice %arg4[%dma_start3A_102, %dma_start3A_103] : memref<1000000x16xf32, #tpu.memory_space<hbm>> -> memref<1000000x16xf32, #tpu.memory_space<hbm>>
    tpu.enqueue_indirect_dma source(%dma_start3A_104 : memref<1000000x16xf32, #tpu.memory_space<hbm>>) target(%arg8 : memref<1664x16xf32, #tpu.memory_space<vmem>>) offsets(%dma_start3A_101 : memref<1664xi32, #tpu.memory_space<vmem>>) semaphore(%arg11 : memref<!tpu.dma_semaphore, #tpu.memory_space<semaphore_mem>>)
    %dma_wait3A_105 = arith.constant 8320 : i32
    %dma_wait3A_106 = tpu.memref_slice %arg7[%dma_wait3A_105] : memref<13312xi32, #tpu.memory_space<vmem>> -> memref<1664xi32, #tpu.memory_space<vmem>>
    %dma_wait3A_107 = arith.constant 0 : i32
    %dma_wait3A_108 = arith.constant 0 : i32
    %dma_wait3A_109 = tpu.memref_slice %arg4[%dma_wait3A_107, %dma_wait3A_108] : memref<1000000x16xf32, #tpu.memory_space<hbm>> -> memref<1000000x16xf32, #tpu.memory_space<hbm>>
    tpu.wait_indirect_dma semaphore(%arg12 : memref<!tpu.dma_semaphore, #tpu.memory_space<semaphore_mem>>) src(%dma_wait3A_109 : memref<1000000x16xf32, #tpu.memory_space<hbm>>) dst(%arg9 : memref<1664x16xf32, #tpu.memory_space<vmem>>)
    %dma_wait3A_110 = arith.constant 0 : i32
    %dma_wait3A_111 = tpu.memref_slice %arg5[%add3A_75, %dma_wait3A_110] : memref<425984x16xf32, #tpu.memory_space<hbm>> -> memref<1664x16xf32, #tpu.memory_space<hbm>>
    %dma_wait3A_112 = arith.constant 0 : i32
    %dma_wait3A_113 = tpu.memref_slice %arg5[%add3A_75, %dma_wait3A_112] : memref<425984x16xf32, #tpu.memory_space<hbm>> -> memref<1664x16xf32, #tpu.memory_space<hbm>>
    tpu.wait_dma2 semaphore(%arg14 : memref<!tpu.dma_semaphore, #tpu.memory_space<semaphore_mem>>) src(%arg9 : memref<1664x16xf32, #tpu.memory_space<vmem>>) dst(%dma_wait3A_113 : memref<1664x16xf32, #tpu.memory_space<hbm>>)
    %add3A_114 = arith.constant 8320 : i32
    %add3A_115 = arith.addi %mul3A_2, %add3A_114 : i32
    %dma_start3A_116 = arith.constant 0 : i32
    %dma_start3A_117 = tpu.memref_slice %arg5[%add3A_115, %dma_start3A_116] : memref<425984x16xf32, #tpu.memory_space<hbm>> -> memref<1664x16xf32, #tpu.memory_space<hbm>>
    %dma_start3A_118 = arith.constant 0 : i32
    %dma_start3A_119 = tpu.memref_slice %arg5[%add3A_115, %dma_start3A_118] : memref<425984x16xf32, #tpu.memory_space<hbm>> -> memref<1664x16xf32, #tpu.memory_space<hbm>>
    tpu.enqueue_dma source(%arg9 : memref<1664x16xf32, #tpu.memory_space<vmem>>) target(%dma_start3A_119 : memref<1664x16xf32, #tpu.memory_space<hbm>>) target_semaphore(%arg14 : memref<!tpu.dma_semaphore, #tpu.memory_space<semaphore_mem>>)
    %dma_start3A_120 = arith.constant 11648 : i32
    %dma_start3A_121 = tpu.memref_slice %arg7[%dma_start3A_120] : memref<13312xi32, #tpu.memory_space<vmem>> -> memref<1664xi32, #tpu.memory_space<vmem>>
    %dma_start3A_122 = arith.constant 0 : i32
    %dma_start3A_123 = arith.constant 0 : i32
    %dma_start3A_124 = tpu.memref_slice %arg4[%dma_start3A_122, %dma_start3A_123] : memref<1000000x16xf32, #tpu.memory_space<hbm>> -> memref<1000000x16xf32, #tpu.memory_space<hbm>>
    tpu.enqueue_indirect_dma source(%dma_start3A_124 : memref<1000000x16xf32, #tpu.memory_space<hbm>>) target(%arg9 : memref<1664x16xf32, #tpu.memory_space<vmem>>) offsets(%dma_start3A_121 : memref<1664xi32, #tpu.memory_space<vmem>>) semaphore(%arg12 : memref<!tpu.dma_semaphore, #tpu.memory_space<semaphore_mem>>)
    %dma_wait3A_125 = arith.constant 9984 : i32
    %dma_wait3A_126 = tpu.memref_slice %arg7[%dma_wait3A_125] : memref<13312xi32, #tpu.memory_space<vmem>> -> memref<1664xi32, #tpu.memory_space<vmem>>
    %dma_wait3A_127 = arith.constant 0 : i32
    %dma_wait3A_128 = arith.constant 0 : i32
    %dma_wait3A_129 = tpu.memref_slice %arg4[%dma_wait3A_127, %dma_wait3A_128] : memref<1000000x16xf32, #tpu.memory_space<hbm>> -> memref<1000000x16xf32, #tpu.memory_space<hbm>>
    tpu.wait_indirect_dma semaphore(%arg11 : memref<!tpu.dma_semaphore, #tpu.memory_space<semaphore_mem>>) src(%dma_wait3A_129 : memref<1000000x16xf32, #tpu.memory_space<hbm>>) dst(%arg8 : memref<1664x16xf32, #tpu.memory_space<vmem>>)
    %dma_wait3A_130 = arith.constant 0 : i32
    %dma_wait3A_131 = tpu.memref_slice %arg5[%add3A_95, %dma_wait3A_130] : memref<425984x16xf32, #tpu.memory_space<hbm>> -> memref<1664x16xf32, #tpu.memory_space<hbm>>
    %dma_wait3A_132 = arith.constant 0 : i32
    %dma_wait3A_133 = tpu.memref_slice %arg5[%add3A_95, %dma_wait3A_132] : memref<425984x16xf32, #tpu.memory_space<hbm>> -> memref<1664x16xf32, #tpu.memory_space<hbm>>
    tpu.wait_dma2 semaphore(%arg13 : memref<!tpu.dma_semaphore, #tpu.memory_space<semaphore_mem>>) src(%arg8 : memref<1664x16xf32, #tpu.memory_space<vmem>>) dst(%dma_wait3A_133 : memref<1664x16xf32, #tpu.memory_space<hbm>>)
    %add3A_134 = arith.constant 9984 : i32
    %add3A_135 = arith.addi %mul3A_2, %add3A_134 : i32
    %dma_start3A_136 = arith.constant 0 : i32
    %dma_start3A_137 = tpu.memref_slice %arg5[%add3A_135, %dma_start3A_136] : memref<425984x16xf32, #tpu.memory_space<hbm>> -> memref<1664x16xf32, #tpu.memory_space<hbm>>
    %dma_start3A_138 = arith.constant 0 : i32
    %dma_start3A_139 = tpu.memref_slice %arg5[%add3A_135, %dma_start3A_138] : memref<425984x16xf32, #tpu.memory_space<hbm>> -> memref<1664x16xf32, #tpu.memory_space<hbm>>
    tpu.enqueue_dma source(%arg8 : memref<1664x16xf32, #tpu.memory_space<vmem>>) target(%dma_start3A_139 : memref<1664x16xf32, #tpu.memory_space<hbm>>) target_semaphore(%arg13 : memref<!tpu.dma_semaphore, #tpu.memory_space<semaphore_mem>>)
    %dma_wait3A_140 = arith.constant 11648 : i32
    %dma_wait3A_141 = tpu.memref_slice %arg7[%dma_wait3A_140] : memref<13312xi32, #tpu.memory_space<vmem>> -> memref<1664xi32, #tpu.memory_space<vmem>>
    %dma_wait3A_142 = arith.constant 0 : i32
    %dma_wait3A_143 = arith.constant 0 : i32
    %dma_wait3A_144 = tpu.memref_slice %arg4[%dma_wait3A_142, %dma_wait3A_143] : memref<1000000x16xf32, #tpu.memory_space<hbm>> -> memref<1000000x16xf32, #tpu.memory_space<hbm>>
    tpu.wait_indirect_dma semaphore(%arg12 : memref<!tpu.dma_semaphore, #tpu.memory_space<semaphore_mem>>) src(%dma_wait3A_144 : memref<1000000x16xf32, #tpu.memory_space<hbm>>) dst(%arg9 : memref<1664x16xf32, #tpu.memory_space<vmem>>)
    %dma_wait3A_145 = arith.constant 0 : i32
    %dma_wait3A_146 = tpu.memref_slice %arg5[%add3A_115, %dma_wait3A_145] : memref<425984x16xf32, #tpu.memory_space<hbm>> -> memref<1664x16xf32, #tpu.memory_space<hbm>>
    %dma_wait3A_147 = arith.constant 0 : i32
    %dma_wait3A_148 = tpu.memref_slice %arg5[%add3A_115, %dma_wait3A_147] : memref<425984x16xf32, #tpu.memory_space<hbm>> -> memref<1664x16xf32, #tpu.memory_space<hbm>>
    tpu.wait_dma2 semaphore(%arg14 : memref<!tpu.dma_semaphore, #tpu.memory_space<semaphore_mem>>) src(%arg9 : memref<1664x16xf32, #tpu.memory_space<vmem>>) dst(%dma_wait3A_148 : memref<1664x16xf32, #tpu.memory_space<hbm>>)
    %add3A_149 = arith.constant 11648 : i32
    %add3A_150 = arith.addi %mul3A_2, %add3A_149 : i32
    %dma_start3A_151 = arith.constant 0 : i32
    %dma_start3A_152 = tpu.memref_slice %arg5[%add3A_150, %dma_start3A_151] : memref<425984x16xf32, #tpu.memory_space<hbm>> -> memref<1664x16xf32, #tpu.memory_space<hbm>>
    %dma_start3A_153 = arith.constant 0 : i32
    %dma_start3A_154 = tpu.memref_slice %arg5[%add3A_150, %dma_start3A_153] : memref<425984x16xf32, #tpu.memory_space<hbm>> -> memref<1664x16xf32, #tpu.memory_space<hbm>>
    tpu.enqueue_dma source(%arg9 : memref<1664x16xf32, #tpu.memory_space<vmem>>) target(%dma_start3A_154 : memref<1664x16xf32, #tpu.memory_space<hbm>>) target_semaphore(%arg14 : memref<!tpu.dma_semaphore, #tpu.memory_space<semaphore_mem>>)
    %dma_wait3A_155 = arith.constant 0 : i32
    %dma_wait3A_156 = tpu.memref_slice %arg5[%add3A_135, %dma_wait3A_155] : memref<425984x16xf32, #tpu.memory_space<hbm>> -> memref<1664x16xf32, #tpu.memory_space<hbm>>
    %dma_wait3A_157 = arith.constant 0 : i32
    %dma_wait3A_158 = tpu.memref_slice %arg5[%add3A_135, %dma_wait3A_157] : memref<425984x16xf32, #tpu.memory_space<hbm>> -> memref<1664x16xf32, #tpu.memory_space<hbm>>
    tpu.wait_dma2 semaphore(%arg13 : memref<!tpu.dma_semaphore, #tpu.memory_space<semaphore_mem>>) src(%arg8 : memref<1664x16xf32, #tpu.memory_space<vmem>>) dst(%dma_wait3A_158 : memref<1664x16xf32, #tpu.memory_space<hbm>>)
    %dma_wait3A_159 = arith.constant 0 : i32
    %dma_wait3A_160 = tpu.memref_slice %arg5[%add3A_150, %dma_wait3A_159] : memref<425984x16xf32, #tpu.memory_space<hbm>> -> memref<1664x16xf32, #tpu.memory_space<hbm>>
    %dma_wait3A_161 = arith.constant 0 : i32
    %dma_wait3A_162 = tpu.memref_slice %arg5[%add3A_150, %dma_wait3A_161] : memref<425984x16xf32, #tpu.memory_space<hbm>> -> memref<1664x16xf32, #tpu.memory_space<hbm>>
    tpu.wait_dma2 semaphore(%arg14 : memref<!tpu.dma_semaphore, #tpu.memory_space<semaphore_mem>>) src(%arg9 : memref<1664x16xf32, #tpu.memory_space<vmem>>) dst(%dma_wait3A_162 : memref<1664x16xf32, #tpu.memory_space<hbm>>)
    %dma_wait3A_163 = arith.constant 0 : i32
    %dma_wait3A_164 = tpu.memref_slice %arg3[%dma_wait3A_163] : memref<1000000xf32, #tpu.memory_space<hbm>> -> memref<1000000xf32, #tpu.memory_space<hbm>>
    tpu.wait_indirect_dma semaphore(%arg15 : memref<!tpu.dma_semaphore, #tpu.memory_space<semaphore_mem>>) src(%dma_wait3A_164 : memref<1000000xf32, #tpu.memory_space<hbm>>) dst(%arg10 : memref<13312xf32, #tpu.memory_space<vmem>>)
    "tpu.region"() ({
      %run_scoped3A = tpu.sem_alloc : memref<!tpu.dma_semaphore, #tpu.memory_space<semaphore_mem>>
      %dma_start3A_165 = tpu.memref_slice %arg6[%mul3A_2] : memref<425984xf32, #tpu.memory_space<hbm>> -> memref<13312xf32, #tpu.memory_space<hbm>>
      %dma_start3A_166 = tpu.memref_slice %arg6[%mul3A_2] : memref<425984xf32, #tpu.memory_space<hbm>> -> memref<13312xf32, #tpu.memory_space<hbm>>
      tpu.enqueue_dma source(%arg10 : memref<13312xf32, #tpu.memory_space<vmem>>) target(%dma_start3A_166 : memref<13312xf32, #tpu.memory_space<hbm>>) target_semaphore(%run_scoped3A : memref<!tpu.dma_semaphore, #tpu.memory_space<semaphore_mem>>)
      %dma_wait3A_167 = tpu.memref_slice %arg6[%mul3A_2] : memref<425984xf32, #tpu.memory_space<hbm>> -> memref<13312xf32, #tpu.memory_space<hbm>>
      %dma_wait3A_168 = tpu.memref_slice %arg6[%mul3A_2] : memref<425984xf32, #tpu.memory_space<hbm>> -> memref<13312xf32, #tpu.memory_space<hbm>>
      tpu.wait_dma2 semaphore(%run_scoped3A : memref<!tpu.dma_semaphore, #tpu.memory_space<semaphore_mem>>) src(%arg10 : memref<13312xf32, #tpu.memory_space<vmem>>) dst(%dma_wait3A_168 : memref<13312xf32, #tpu.memory_space<hbm>>)
      tpu.yield
    }) : () -> ()
    return
  }
}

module attributes {stable_mosaic.version = 14 : i64} {
  func.func @mk(%arg0: i32, %arg1: memref<1024x416xf32, #tpu.memory_space<vmem>>, %arg2: memref<1024x26xf32, #tpu.memory_space<vmem>>, %arg3: memref<1024x26xf32, #tpu.memory_space<vmem>>, %arg4: memref<26x416xf32, #tpu.memory_space<vmem>>, %arg5: memref<416x16xf32, #tpu.memory_space<vmem>>, %arg6: memref<416x400xbf16, #tpu.memory_space<vmem>>, %arg7: memref<1x400xf32, #tpu.memory_space<vmem>>, %arg8: memref<400x400xbf16, #tpu.memory_space<vmem>>, %arg9: memref<1x400xf32, #tpu.memory_space<vmem>>, %arg10: memref<400x400xbf16, #tpu.memory_space<vmem>>, %arg11: memref<1x400xf32, #tpu.memory_space<vmem>>, %arg12: memref<400x1xf32, #tpu.memory_space<vmem>>, %arg13: memref<1x1xf32, #tpu.memory_space<vmem>>, %arg14: memref<1024x1xf32, #tpu.memory_space<vmem>>) attributes {dimension_semantics = [#tpu.dimension_semantics<arbitrary>], iteration_bounds = array<i64: 16>, scalar_prefetch = 0 : i64, scratch_operands = 0 : i64, tpu.core_type = #tpu.core_type<tc>, window_params = [{transform_indices = @transform_0, window_bounds = array<i64: 1024, 416>}, {transform_indices = @transform_1, window_bounds = array<i64: 1024, 26>}, {transform_indices = @transform_2, window_bounds = array<i64: 1024, 26>}, {pipeline_mode = #tpu.pipeline_mode<synchronous>, transform_indices = @transform_3, window_bounds = array<i64: 26, 416>}, {pipeline_mode = #tpu.pipeline_mode<synchronous>, transform_indices = @transform_4, window_bounds = array<i64: 416, 16>}, {pipeline_mode = #tpu.pipeline_mode<synchronous>, transform_indices = @transform_5, window_bounds = array<i64: 416, 400>}, {pipeline_mode = #tpu.pipeline_mode<synchronous>, transform_indices = @transform_6, window_bounds = array<i64: 1, 400>}, {pipeline_mode = #tpu.pipeline_mode<synchronous>, transform_indices = @transform_7, window_bounds = array<i64: 400, 400>}, {pipeline_mode = #tpu.pipeline_mode<synchronous>, transform_indices = @transform_8, window_bounds = array<i64: 1, 400>}, {pipeline_mode = #tpu.pipeline_mode<synchronous>, transform_indices = @transform_9, window_bounds = array<i64: 400, 400>}, {pipeline_mode = #tpu.pipeline_mode<synchronous>, transform_indices = @transform_10, window_bounds = array<i64: 1, 400>}, {pipeline_mode = #tpu.pipeline_mode<synchronous>, transform_indices = @transform_11, window_bounds = array<i64: 400, 1>}, {pipeline_mode = #tpu.pipeline_mode<synchronous>, transform_indices = @transform_12, window_bounds = array<i64: 1, 1>}, {transform_indices = @transform_13, window_bounds = array<i64: 1024, 1>}]} {
    %get3A = arith.constant 0 : index
    %get3A_0 = arith.constant 0 : index
    %get3A_1 = vector.load %arg2[%get3A, %get3A_0] : memref<1024x26xf32, #tpu.memory_space<vmem>>, vector<1024x26xf32>
    %get3A_2 = arith.constant 0 : index
    %get3A_3 = arith.constant 0 : index
    %get3A_4 = vector.load %arg3[%get3A_2, %get3A_3] : memref<1024x26xf32, #tpu.memory_space<vmem>>, vector<1024x26xf32>
    %mul3A = arith.mulf %get3A_4, %get3A_1 : vector<1024x26xf32>
    %reduce_sum3A = arith.constant dense<0.000000e+00> : vector<1024xf32>
    %reduce_sum3A_5 = vector.multi_reduction <add>, %mul3A, %reduce_sum3A [1] : vector<1024x26xf32> to vector<1024xf32>
    %broadcast_in_dim3A = vector.shape_cast %reduce_sum3A_5 : vector<1024xf32> to vector<1024x1xf32>
    %get3A_6 = arith.constant 0 : index
    %get3A_7 = arith.constant 0 : index
    %get3A_8 = vector.load %arg4[%get3A_6, %get3A_7] : memref<26x416xf32, #tpu.memory_space<vmem>>, vector<26x416xf32>
    %dot_general3A = arith.constant dense<0.000000e+00> : vector<1024x416xf32>
    %dot_general3A_9 = tpu.matmul %get3A_1, %get3A_8, %dot_general3A {dimension_numbers = #tpu.dot_dimension_numbers<[1], [0], [0], [1], [0, 0, 1, 1], [], []>, precision = #tpu.contract_precision<fp32>, transpose_lhs_hint = false} : vector<1024x26xf32>, vector<26x416xf32>, vector<1024x416xf32> -> vector<1024x416xf32>
    %get3A_10 = arith.constant 0 : index
    %get3A_11 = arith.constant 0 : index
    %get3A_12 = vector.load %arg1[%get3A_10, %get3A_11] : memref<1024x416xf32, #tpu.memory_space<vmem>>, vector<1024x416xf32>
    %mul3A_13 = arith.mulf %get3A_12, %dot_general3A_9 : vector<1024x416xf32>
    %get3A_14 = arith.constant 0 : index
    %get3A_15 = arith.constant 0 : index
    %get3A_16 = vector.load %arg5[%get3A_14, %get3A_15] : memref<416x16xf32, #tpu.memory_space<vmem>>, vector<416x16xf32>
    %dot_general3A_17 = arith.constant dense<0.000000e+00> : vector<1024x16xf32>
    %dot_general3A_18 = tpu.matmul %mul3A_13, %get3A_16, %dot_general3A_17 {dimension_numbers = #tpu.dot_dimension_numbers<[1], [0], [0], [1], [0, 0, 1, 1], [], []>, precision = #tpu.contract_precision<fp32>, transpose_lhs_hint = false} : vector<1024x416xf32>, vector<416x16xf32>, vector<1024x16xf32> -> vector<1024x16xf32>
    %mul3A_19 = arith.mulf %dot_general3A_18, %dot_general3A_18 : vector<1024x16xf32>
    %reduce_sum3A_20 = arith.constant dense<0.000000e+00> : vector<1024xf32>
    %reduce_sum3A_21 = vector.multi_reduction <add>, %mul3A_19, %reduce_sum3A_20 [1] : vector<1024x16xf32> to vector<1024xf32>
    %broadcast_in_dim3A_22 = vector.shape_cast %reduce_sum3A_21 : vector<1024xf32> to vector<1024x1xf32>
    %mul3A_23 = arith.mulf %mul3A_13, %mul3A_13 : vector<1024x416xf32>
    %reduce_sum3A_24 = arith.constant dense<0.000000e+00> : vector<1024xf32>
    %reduce_sum3A_25 = vector.multi_reduction <add>, %mul3A_23, %reduce_sum3A_24 [1] : vector<1024x416xf32> to vector<1024xf32>
    %broadcast_in_dim3A_26 = vector.shape_cast %reduce_sum3A_25 : vector<1024xf32> to vector<1024x1xf32>
    %sub3A = arith.subf %broadcast_in_dim3A_22, %broadcast_in_dim3A_26 : vector<1024x1xf32>
    %mul3A_27 = arith.constant 5.000000e-01 : f32
    %mul3A_28 = vector.broadcast %mul3A_27 : f32 to vector<1024x1xf32>
    %mul3A_29 = arith.mulf %mul3A_28, %sub3A : vector<1024x1xf32>
    %convert_element_type3A = arith.truncf %mul3A_13 : vector<1024x416xf32> to vector<1024x416xbf16>
    %get3A_30 = arith.constant 0 : index
    %get3A_31 = arith.constant 0 : index
    %get3A_32 = vector.load %arg6[%get3A_30, %get3A_31] : memref<416x400xbf16, #tpu.memory_space<vmem>>, vector<416x400xbf16>
    %dot_general3A_33 = arith.constant dense<0.000000e+00> : vector<1024x400xf32>
    %dot_general3A_34 = tpu.matmul %convert_element_type3A, %get3A_32, %dot_general3A_33 {dimension_numbers = #tpu.dot_dimension_numbers<[1], [0], [0], [1], [0, 0, 1, 1], [], []>, transpose_lhs_hint = false} : vector<1024x416xbf16>, vector<416x400xbf16>, vector<1024x400xf32> -> vector<1024x400xf32>
    %get3A_35 = arith.constant 0 : index
    %get3A_36 = arith.constant 0 : index
    %get3A_37 = vector.load %arg7[%get3A_35, %get3A_36] : memref<1x400xf32, #tpu.memory_space<vmem>>, vector<1x400xf32>
    %add3A = vector.broadcast %get3A_37 : vector<1x400xf32> to vector<1024x400xf32>
    %add3A_38 = arith.addf %dot_general3A_34, %add3A : vector<1024x400xf32>
    %max3A = arith.constant 0.000000e+00 : f32
    %max3A_39 = vector.broadcast %max3A : f32 to vector<1024x400xf32>
    %max3A_40 = arith.maximumf %add3A_38, %max3A_39 : vector<1024x400xf32>
    %convert_element_type3A_41 = arith.truncf %max3A_40 : vector<1024x400xf32> to vector<1024x400xbf16>
    %get3A_42 = arith.constant 0 : index
    %get3A_43 = arith.constant 0 : index
    %get3A_44 = vector.load %arg8[%get3A_42, %get3A_43] : memref<400x400xbf16, #tpu.memory_space<vmem>>, vector<400x400xbf16>
    %dot_general3A_45 = arith.constant dense<0.000000e+00> : vector<1024x400xf32>
    %dot_general3A_46 = tpu.matmul %convert_element_type3A_41, %get3A_44, %dot_general3A_45 {dimension_numbers = #tpu.dot_dimension_numbers<[1], [0], [0], [1], [0, 0, 1, 1], [], []>, transpose_lhs_hint = false} : vector<1024x400xbf16>, vector<400x400xbf16>, vector<1024x400xf32> -> vector<1024x400xf32>
    %get3A_47 = arith.constant 0 : index
    %get3A_48 = arith.constant 0 : index
    %get3A_49 = vector.load %arg9[%get3A_47, %get3A_48] : memref<1x400xf32, #tpu.memory_space<vmem>>, vector<1x400xf32>
    %add3A_50 = vector.broadcast %get3A_49 : vector<1x400xf32> to vector<1024x400xf32>
    %add3A_51 = arith.addf %dot_general3A_46, %add3A_50 : vector<1024x400xf32>
    %max3A_52 = arith.constant 0.000000e+00 : f32
    %max3A_53 = vector.broadcast %max3A_52 : f32 to vector<1024x400xf32>
    %max3A_54 = arith.maximumf %add3A_51, %max3A_53 : vector<1024x400xf32>
    %convert_element_type3A_55 = arith.truncf %max3A_54 : vector<1024x400xf32> to vector<1024x400xbf16>
    %get3A_56 = arith.constant 0 : index
    %get3A_57 = arith.constant 0 : index
    %get3A_58 = vector.load %arg10[%get3A_56, %get3A_57] : memref<400x400xbf16, #tpu.memory_space<vmem>>, vector<400x400xbf16>
    %dot_general3A_59 = arith.constant dense<0.000000e+00> : vector<1024x400xf32>
    %dot_general3A_60 = tpu.matmul %convert_element_type3A_55, %get3A_58, %dot_general3A_59 {dimension_numbers = #tpu.dot_dimension_numbers<[1], [0], [0], [1], [0, 0, 1, 1], [], []>, transpose_lhs_hint = false} : vector<1024x400xbf16>, vector<400x400xbf16>, vector<1024x400xf32> -> vector<1024x400xf32>
    %get3A_61 = arith.constant 0 : index
    %get3A_62 = arith.constant 0 : index
    %get3A_63 = vector.load %arg11[%get3A_61, %get3A_62] : memref<1x400xf32, #tpu.memory_space<vmem>>, vector<1x400xf32>
    %add3A_64 = vector.broadcast %get3A_63 : vector<1x400xf32> to vector<1024x400xf32>
    %add3A_65 = arith.addf %dot_general3A_60, %add3A_64 : vector<1024x400xf32>
    %max3A_66 = arith.constant 0.000000e+00 : f32
    %max3A_67 = vector.broadcast %max3A_66 : f32 to vector<1024x400xf32>
    %max3A_68 = arith.maximumf %add3A_65, %max3A_67 : vector<1024x400xf32>
    %get3A_69 = arith.constant 0 : index
    %get3A_70 = arith.constant 0 : index
    %get3A_71 = vector.load %arg12[%get3A_69, %get3A_70] : memref<400x1xf32, #tpu.memory_space<vmem>>, vector<400x1xf32>
    %dot_general3A_72 = arith.constant dense<0.000000e+00> : vector<1024x1xf32>
    %dot_general3A_73 = tpu.matmul %max3A_68, %get3A_71, %dot_general3A_72 {dimension_numbers = #tpu.dot_dimension_numbers<[1], [0], [0], [1], [0, 0, 1, 1], [], []>, transpose_lhs_hint = false} : vector<1024x400xf32>, vector<400x1xf32>, vector<1024x1xf32> -> vector<1024x1xf32>
    %add3A_74 = arith.addf %broadcast_in_dim3A, %mul3A_29 : vector<1024x1xf32>
    %add3A_75 = arith.addf %add3A_74, %dot_general3A_73 : vector<1024x1xf32>
    %get3A_76 = arith.constant 0 : index
    %get3A_77 = arith.constant 0 : index
    %get3A_78 = vector.load %arg13[%get3A_76, %get3A_77] : memref<1x1xf32, #tpu.memory_space<vmem>>, vector<1x1xf32>
    %add3A_79 = vector.broadcast %get3A_78 : vector<1x1xf32> to vector<1024x1xf32>
    %add3A_80 = arith.addf %add3A_75, %add3A_79 : vector<1024x1xf32>
    %logistic3A = arith.negf %add3A_80 : vector<1024x1xf32>
    %logistic3A_81 = math.exp %logistic3A : vector<1024x1xf32>
    %logistic3A_82 = arith.constant 1.000000e+00 : f32
    %logistic3A_83 = vector.broadcast %logistic3A_82 : f32 to vector<1024x1xf32>
    %logistic3A_84 = arith.addf %logistic3A_83, %logistic3A_81 : vector<1024x1xf32>
    %logistic3A_85 = arith.divf %logistic3A_83, %logistic3A_84 : vector<1024x1xf32>
    %swap3A = arith.constant 0 : index
    %swap3A_86 = arith.constant 0 : index
    %swap3A_87 = vector.load %arg14[%swap3A, %swap3A_86] : memref<1024x1xf32, #tpu.memory_space<vmem>>, vector<1024x1xf32>
    tpu.vector_store %arg14[%swap3A, %swap3A_86], %logistic3A_85 {strides = array<i32>} : memref<1024x1xf32, #tpu.memory_space<vmem>>, vector<1024x1xf32>,
    return
  }
  func.func @transform_0(%arg0: i32) -> (i32, i32) {
    %c0_i32 = arith.constant 0 : i32
    %c0_i32_0 = arith.constant 0 : i32
    return %arg0, %c0_i32 : i32, i32
  }
  func.func @transform_1(%arg0: i32) -> (i32, i32) {
    %c0_i32 = arith.constant 0 : i32
    %c0_i32_0 = arith.constant 0 : i32
    return %arg0, %c0_i32 : i32, i32
  }
  func.func @transform_2(%arg0: i32) -> (i32, i32) {
    %c0_i32 = arith.constant 0 : i32
    %c0_i32_0 = arith.constant 0 : i32
    return %arg0, %c0_i32 : i32, i32
  }
  func.func @transform_3(%arg0: i32) -> (i32, i32) {
    %c0_i32 = arith.constant 0 : i32
    %c0_i32_0 = arith.constant 0 : i32
    %c0_i32_1 = arith.constant 0 : i32
    return %c0_i32, %c0_i32_0 : i32, i32
  }
  func.func @transform_4(%arg0: i32) -> (i32, i32) {
    %c0_i32 = arith.constant 0 : i32
    %c0_i32_0 = arith.constant 0 : i32
    %c0_i32_1 = arith.constant 0 : i32
    return %c0_i32, %c0_i32_0 : i32, i32
  }
  func.func @transform_5(%arg0: i32) -> (i32, i32) {
    %c0_i32 = arith.constant 0 : i32
    %c0_i32_0 = arith.constant 0 : i32
    %c0_i32_1 = arith.constant 0 : i32
    return %c0_i32, %c0_i32_0 : i32, i32
  }
  func.func @transform_6(%arg0: i32) -> (i32, i32) {
    %c0_i32 = arith.constant 0 : i32
    %c0_i32_0 = arith.constant 0 : i32
    %c0_i32_1 = arith.constant 0 : i32
    return %c0_i32, %c0_i32_0 : i32, i32
  }
  func.func @transform_7(%arg0: i32) -> (i32, i32) {
    %c0_i32 = arith.constant 0 : i32
    %c0_i32_0 = arith.constant 0 : i32
    %c0_i32_1 = arith.constant 0 : i32
    return %c0_i32, %c0_i32_0 : i32, i32
  }
  func.func @transform_8(%arg0: i32) -> (i32, i32) {
    %c0_i32 = arith.constant 0 : i32
    %c0_i32_0 = arith.constant 0 : i32
    %c0_i32_1 = arith.constant 0 : i32
    return %c0_i32, %c0_i32_0 : i32, i32
  }
  func.func @transform_9(%arg0: i32) -> (i32, i32) {
    %c0_i32 = arith.constant 0 : i32
    %c0_i32_0 = arith.constant 0 : i32
    %c0_i32_1 = arith.constant 0 : i32
    return %c0_i32, %c0_i32_0 : i32, i32
  }
  func.func @transform_10(%arg0: i32) -> (i32, i32) {
    %c0_i32 = arith.constant 0 : i32
    %c0_i32_0 = arith.constant 0 : i32
    %c0_i32_1 = arith.constant 0 : i32
    return %c0_i32, %c0_i32_0 : i32, i32
  }
  func.func @transform_11(%arg0: i32) -> (i32, i32) {
    %c0_i32 = arith.constant 0 : i32
    %c0_i32_0 = arith.constant 0 : i32
    %c0_i32_1 = arith.constant 0 : i32
    return %c0_i32, %c0_i32_0 : i32, i32
  }
  func.func @transform_12(%arg0: i32) -> (i32, i32) {
    %c0_i32 = arith.constant 0 : i32
    %c0_i32_0 = arith.constant 0 : i32
    %c0_i32_1 = arith.constant 0 : i32
    return %c0_i32, %c0_i32_0 : i32, i32
  }
  func.func @transform_13(%arg0: i32) -> (i32, i32) {
    %c0_i32 = arith.constant 0 : i32
    %c0_i32_0 = arith.constant 0 : i32
    return %arg0, %c0_i32 : i32, i32
  }
}

</mosaic_0001>

<sc_bundles>
// kernel: kernel.4.cloned.1.call-start
scs
__scs_entry_jumppad:
0x0: {  	(pc) =	sbr.rel $0x88, $3  }
0x1: {  	(tag) =	ssettag $0x0;
	lr =	simm.s32 $0x1  }
0x2: {  	[smem:$0x3F88] =	sst lr;
	_ =	strace $0xD0000000  }
0x3: {  	_ = 	snop  }
0x4: {  	_ = 	snop  }
0x5: {  	_ = 	snop  }
0x6: {  	_ = 	snop  }
0x7: {  	_ = 	snop  }
__scs_overlays_trampoline_lowered:
0x8: {  	[smem:$0x3F97] =	sst s0  }
0x9: {  	[smem:$0x3F98] =	sst s1  }
0xa: {  	[smem:$0x3F99] =	sst s2  }
0xb: {  	[smem:$0x3F9A] =	sst s3  }
0xc: {  	[smem:$0x3F9B] =	sst s4  }
0xd: {  	[smem:$0x3F9C] =	sst s5  }
0xe: {  	[smem:$0x3F9D] =	sst s6  }
0xf: {  	[smem:$0x3F9E] =	sst s7  }
0x10: {  	[smem:$0x3F9F] =	sst s8  }
0x11: {  	[smem:$0x3FA0] =	sst s9;
	s0 =	simm.s32 @!p0 $0x0  }
0x12: {  	s1 =	sld [smem:$0x3F86];
	s0 =	simm.s32 @p0 $0x1  }
0x13: {  	[smem:$0x3FA1] =	sst s0;
	s0 =	simm.s32 @!p1 $0x0  }
0x14: {  	s2 =	sld [smem:$0x3F85];
	s0 =	simm.s32 @p1 $0x1  }
0x15: {  	[smem:$0x3FA2] =	sst s0;
	s0 =	simm.s32 @!p2 $0x0  }
0x16: {  	s3 =	sld [smem:$0x3FDB];
	s0 =	simm.s32 @p2 $0x1  }
0x17: {  	s4 =	simm.s32 $0x1BF5;
	[smem:$0x3FA4] =	sst s0  }
0x18: {  	s0 =	sld [smem:$0x3F87];
	_ =	swait.ge [sflag:s4], $0x0  }
0x19: {  	s7 =	sld [smem:$0x3F88]  }
0x1a: {  	s8 =	sadd.s32 $0xFFFFE003, lr  }
0x1b: {  	s9 =	sadd.s32 $0xFFFFFEF7, lr;
	s5 =	simm.s32 $0xFFFFFFFF;
	p2 =	slt.u32 s8, $0xFFFFF086  }
0x1c: {  	p1 =	slt.u32 s9, $0xF7A;
	s5 =	simm.s32 @!p2 $0x0  }
0x1d: {  	s5 =	simm.s32 @p1 $0x1;
	p0 =	seq.s32 s7, s2  }
0x1e: {  	s7 =	smul.u32 @!p0 $0xF7A, s2;
	p2 =	seq.s32 @!p0 s5, $0x0  }
0x1f: {  	s9 =	smul.u32 $0xF7A, s1;
	s8 =	simm.s32 @!p0 $0x1BF5;
	p2 =	por !p2, p0  }
0x20: {  	[sflag:s8] =	ssyncset.s32 @!p0 $0xFFFFF086;
	s6 =	sadd.s32 @!p0 s3, s7;
	s7 =	simm.s32 @!p0 $0x108  }
0x21: {  	s3 =	sadd.s32 s3, s9;
	s6 =	sadd.s32 @!p0 $0x88, s6;
	s7 =	simm.s32 @p2 $0x1082  }
0x22: {  	[simem:s7], [sflag:s8] =	dma.local @!p0 [hbm:s6], $0xF7A  }
0x23: {  	s9 =	sor.u32 $0xD0000000, s2;
	s6 =	simm.s32 $0x108;
	_ =	swait.ge @!p0 [sflag:s8], $0x0  }
0x24: {  	s3 =	sadd.s32 $0x88, s3;
	s6 =	simm.s32 @!p1 $0x1082;
	[sflag:s4] =	ssyncset.s32 $0xFFFFF086  }
0x25: {  	[simem:s6], [sflag:s4] =	dma.local [hbm:s3], $0xF7A  }
0x26: {  	[smem:$0x3F88] =	sst s1;
	(tag) =	ssettag s2;
	_ =	strace s9  }
0x27: {  	s1 =	sld [smem:$0x3F98]  }
0x28: {  	s2 =	sld [smem:$0x3F99]  }
0x29: {  	s4 =	sld [smem:$0x3F9B]  }
0x2a: {  	p0 =	seq.s32 s5, $0x0;
	s5 =	sld [smem:$0x3F9C]  }
0x2b: {  	s6 =	sld [smem:$0x3F9D]  }
0x2c: {  	s7 =	sld [smem:$0x3F9E]  }
0x2d: {  	s3 =	simm.s32 $0x108;
	s8 =	sld [smem:$0x3F9F]  }
0x2e: {  	s3 =	simm.s32 @!p0 $0x1082;
	s9 =	sld [smem:$0x3FA0]  }
0x2f: {  	lr =	sadd.s32 s0, s3;
	s0 =	sld [smem:$0x3F97]  }
0x30: {  	s3 =	sld [smem:$0x3F9A]  }
0x31: {  	[smem:$0x3FA3] =	sst s10  }
0x32: {  	s10 =	sld [smem:$0x3FA1];
	_ =	sdelay $0x3  }
0x33: {  	p0 =	seq.s32 s10, $0x1;
	s10 =	sld [smem:$0x3FA3];
	_ =	sdelay $0x3  }
0x34: {  	[smem:$0x3FA3] =	sst s10  }
0x35: {  	s10 =	sld [smem:$0x3FA2];
	_ =	sdelay $0x3  }
0x36: {  	p1 =	seq.s32 s10, $0x1;
	s10 =	sld [smem:$0x3FA3];
	_ =	sdelay $0x3  }
0x37: {  	[smem:$0x3FA3] =	sst s10  }
0x38: {  	s10 =	sld [smem:$0x3FA4]  }
0x39: {  	_ = 	snop;
	(pc) =	sbr.ind lr, $3  }
0x3a: {  	_ = 	snop  }
0x3b: {  	_ = 	snop  }
0x3c: {  	p2 =	seq.s32 s10, $0x1;
	s10 =	sld [smem:$0x3FA3]  }
0x3d: {  	_ =	shalt  }
0x3e: {  	_ =	shalt  }
0x3f: {  	_ =	shalt  }
0x40: {  	_ =	shalt  }
0x41: {  	_ =	shalt  }
0x42: {  	_ =	shalt  }
0x43: {  	_ =	shalt  }
0x44: {  	_ =	shalt  }
0x45: {  	_ =	shalt  }
0x46: {  	_ =	shalt  }
0x47: {  	_ =	shalt  }
0x48: {  	_ =	shalt  }
0x49: {  	_ =	shalt  }
0x4a: {  	_ =	shalt  }
0x4b: {  	_ =	shalt  }
0x4c: {  	_ =	shalt  }
0x4d: {  	_ =	shalt  }
0x4e: {  	_ =	shalt  }
0x4f: {  	_ =	shalt  }
0x50: {  	_ =	shalt  }
0x51: {  	_ =	shalt  }
0x52: {  	_ =	shalt  }
0x53: {  	_ =	shalt  }
0x54: {  	_ =	shalt  }
0x55: {  	_ =	shalt  }
0x56: {  	_ =	shalt  }
0x57: {  	_ =	shalt  }
0x58: {  	_ =	shalt  }
0x59: {  	_ =	shalt  }
0x5a: {  	_ =	shalt  }
0x5b: {  	_ =	shalt  }
0x5c: {  	_ =	shalt  }
0x5d: {  	_ =	shalt  }
0x5e: {  	_ =	shalt  }
0x5f: {  	_ =	shalt  }
0x60: {  	_ =	shalt  }
0x61: {  	_ =	shalt  }
0x62: {  	_ =	shalt  }
0x63: {  	_ =	shalt  }
0x64: {  	_ =	shalt  }
0x65: {  	_ =	shalt  }
0x66: {  	_ =	shalt  }
0x67: {  	_ =	shalt  }
0x68: {  	_ =	shalt  }
0x69: {  	_ =	shalt  }
0x6a: {  	_ =	shalt  }
0x6b: {  	_ =	shalt  }
0x6c: {  	_ =	shalt  }
0x6d: {  	_ =	shalt  }
0x6e: {  	_ =	shalt  }
0x6f: {  	_ =	shalt  }
0x70: {  	_ =	shalt  }
0x71: {  	_ =	shalt  }
0x72: {  	_ =	shalt  }
0x73: {  	_ =	shalt  }
0x74: {  	_ =	shalt  }
0x75: {  	_ =	shalt  }
0x76: {  	_ =	shalt  }
0x77: {  	_ =	shalt  }
0x78: {  	_ =	shalt  }
0x79: {  	_ =	shalt  }
0x7a: {  	_ =	shalt  }
0x7b: {  	_ =	shalt  }
0x7c: {  	_ =	shalt  }
0x7d: {  	_ =	shalt  }
0x7e: {  	_ =	shalt  }
0x7f: {  	_ =	shalt  }
0x80: {  	_ =	shalt  }
0x81: {  	_ =	shalt  }
0x82: {  	_ =	shalt  }
0x83: {  	_ =	shalt  }
0x84: {  	_ =	shalt  }
0x85: {  	_ =	shalt  }
0x86: {  	_ =	shalt  }
0x87: {  	_ =	shalt  }
.Lfunc_end0:
.L_simem_size_0:
called_computation_lowered:
.L_overlay_start_0:
0x88: {  	s2 =	sld [smem:$0x3FD9]  }
0x89: {  	s3 =	sld [smem:$0x3FFE];
	_ =	sdelay $0x1  }
0x8a: {  	s1 =	srdreg.scid  }
0x8b: {  	s0 =	sand.u32 $0x1, s1  }
0x8c: {  	s17 =	sshll.u32 s0, $0xA;
	s2 =	sadd.s32 s3, s2  }
0x8d: {  	s2 =	sadd.s32 s2, s17  }
0x8e: {  	[smem:$0x3FAF] =	sst s2  }
0x8f: {  	_ = 	snop  }
0x90: {  	s2 =	sld [smem:$0x3FC6];
	(tm) =	ssettm $0x1  }
0x91: {  	s18 =	sld [smem:$0x3FFB];
	_ =	sdelay $0x3  }
0x92: {  	_ =	strace s18  }
0x93: {  	s3 =	sld [smem:$0x3FFC];
	_ =	sdelay $0x3  }
0x94: {  	_ =	strace s3  }
0x95: {  	s3 =	sld [smem:$0x3FFD];
	_ =	sdelay $0x3  }
0x96: {  	_ =	strace s3  }
0x97: {  	_ =	strace $0x8FFFFFFF  }
0x98: {  	s19 =	sld [smem:$0x3FDB];
	_ =	sdelay $0x1  }
0x99: {  	s4 =	simm.s32 $_scs_section_size  }
0x9a: {  	s5 =	simm.s32 $_size__tile_overlayer_lowered;
	s6 =	simm.s32 $_tile_overlayer_lowered  }
0x9b: {  	s22 =	simm.s32 $0x1BFF;
	s21 =	sshll.u32 s6, $0x1;
	s3 =	sadd.s32 s4, s19  }
0x9c: {  	s7 =	simm.s32 $0x0;
	s20 =	sshll.u32 s5, $0x1;
	s5 =	sadd.s32 s21, s3  }
0x9d: {  	[timem:s7], [sflag:s22] =	dma.local [hbm:s5], s20  }
0x9e: {  	_ =	swait.ge [sflag:s22], s20  }
0x9f: {  	s4 =	ssub.s32 $0x0, s20;
	[sflag:s22] =	ssyncset.done $0x0  }
0xa0: {  	[sflag:s22] =	ssyncadd.s32 s4;
	_ =	sdelay $0x1  }
0xa1: {  	s23 =	simm.s32 $0x1B8B  }
0xa2: {  	_ =	swait.ge [sflag:s23], $0x1  }
0xa3: {  	[sflag:s23] =	ssyncset.done $0x0  }
0xa4: {  	s25 =	simm.s32 $0x1B8E;
	s24 =	sld [smem:$0x3FFE];
	[sflag:s23] =	ssyncadd.s32 $0xFFFFFFFF  }
0xa5: {  	s26 =	simm.s32 $execute0_lowered;
	[smem:$0x3FD2] =	sst s25  }
0xa6: {  	s5 =	sshll.u32 s26, $0x1;
	_ =	strace $0x80000046;
	[dreg:$0x1] =	wrdreg $0xFFFFFFFF  }
0xa7: {  	s28 =	simm.s32 $_size_execute0_lowered;
	s3 =	sadd.s32 s3, s5;
	[dreg:$0x0] =	wrdreg $0x0  }
0xa8: {  	s5 =	sshll.u32 s28, $0x1;
	[dreg:$0x2] =	wrdreg s3  }
0xa9: {  	[dreg:$0x3] =	wrdreg s5  }
0xaa: {  	[dreg:$0x4] =	wrdreg $0xC0  }
0xab: {  	_ =	task [dreg:s7], $0x5FFFF  }
0xac: {  	[dreg:$0x1] =	wrdreg $0xFFFFFFFF  }
0xad: {  	[dreg:$0x0] =	wrdreg $0x60  }
0xae: {  	[dreg:$0x2] =	wrdreg s24  }
0xaf: {  	[dreg:$0x3] =	wrdreg s2  }
0xb0: {  	[dreg:$0x4] =	wrdreg $0x9  }
0xb1: {  	_ =	task.clear_ibuf [dreg:s7], $0x5FFFF;
	_ =	strace $0x90000046  }
0xb2: {  	s29 =	simm.s32 $0x9;
	_ =	strace $0x80000048  }
0xb3: {  	_ =	swait.ge [sflag:s29], $0x1  }
0xb4: {  	[sflag:s29] =	ssyncadd.s32 $0xFFFFFFFF  }
0xb5: {  	_ =	strace $0x90000048  }
0xb6: {  	_ =	sfence  }
0xb7: {  	s30 =	sld [smem:$0x0];
	_ =	sdelay $0x2  }
0xb8: {  	s31 =	sshll.u32 s1, $0xD;
	s1 =	sshrl.u32 s1, $0x2  }
0xb9: {  	s3 =	sand.u32 $0x4000, s31;
	s1 =	sadd.s32 s1, s30  }
0xba: {  	s0 =	sor.u32 s3, s0;
	s1 =	sshll.u32 s1, $0x11  }
0xbb: {  	s0 =	sor.u32 s1, s0  }
0xbc: {  	s0 =	sadd.s32 $0x8F2B, s0  }
0xbd: {  	[sflag:s0] =	ssyncadd.remote.s32 $0x1  }
0xbe: {  	_ =	sfence.sel $0xFFFF  }
0xbf: {  	[dreg:$0x0] =	wrdreg $0xFFFFFFFF;
	(pc) =	sbr.abs _section_cstart, $3  }
0xc0: {  	[dreg:$0x1] =	wrdreg $0xFFFFFFFF  }
0xc1: {  	_ =	task.clear_ibuf [dreg:s7], $0x2FFFF;
	_ =	strace $0x9FFFFFFF  }
0xc2: {  	(tm) =	ssettm $0x7FFFFFFF  }
0xc3: {  	_ =	shalt  }
tec
execute0_lowered:
.L_overlay_start_1:
0x0: {  	(tag) =	ssettag $0x1  }
0x1: {  	s1 =	srdreg.scid;
	s0 =	stileid.u32  }
0x2: {  	s29 =	sand.u32 $0x1, s1;
	s26 =	sshll.u32 s0, $0x1  }
0x3: {  	s11 =	rddreg [dreg:$0x0];
	s12 =	sor.u32 s29, s26  }
0x4: {  	s2 =	rddreg [dreg:$0x1];
	s3 =	smul.u32 $0x680, s12  }
0x5: {  	[dreg:$0x3] =	wrdreg s2;
	s2 =	simm.s32 $0x0  }
0x6: {  	[smem:$0x7FF] =	sst s2;
	s30 =	sadd.s32 s3, s11  }
0x7: {  	_ =	strace $0x80000047;
	s3 =	simm.s32 $0x6;
	s4 =	sadd.s32 $0x3600, s30  }
0x8: {  	[tilespmem:s2], [sflag:$0x6] =	stream.linear.gather [hbm4b:s4+s2], $0x3400, $0x38;
	[tilespmem:$0x13800] =	vst v63  }
0x9: {  	_ =	swait.ge [sflag:s3], $0x3400  }
0xa: {  	s5 =	simm.s32 $0x3400;
	[sflag:s3] =	ssyncset.done $0x0  }
0xb: {  	s6 =	simm.s32 $0x10400;
	s7 =	rddreg [dreg:$0x3];
	[sflag:s3] =	ssyncadd.s32 $0xFFFFCC00  }
0xc: {  	[tilespmem:s6], [sflag:$0x5] =	stream.indirect.gather [hbm4b:s7+s5], $0x1, s2, s5, $0xb8;
	[tilespmem:$0x13800] =	vst v63  }
0xd: {  	s8 =	simm.s32 $0x680;
	s7 =	sadd.s32 $0xF45A00, s11  }
0xe: {  	[tilespmem:s5], [sflag:$0x1] =	stream.indirect.gather [hbm4b:s7+s8], $0x10, s2, s8, $0xb8;
	[tilespmem:$0x13800] =	vst v63  }
0xf: {  	s9 =	simm.s32 $0x9C00;
	s10 =	simm.s32 $0x1  }
0x10: {  	[tilespmem:s9], [sflag:$0x2] =	stream.indirect.gather [hbm4b:s7+s8], $0x10, s8, s8, $0xb8;
	[tilespmem:$0x13800] =	vst v63  }
0x11: {  	s13 =	smul.u32 $0x6800, s12;
	_ =	swait.ge [sflag:s10], $0x6800  }
0x12: {  	s14 =	sadd.s32 $0x10600, s11;
	[sflag:s10] =	ssyncset.done $0x0  }
0x13: {  	s11 =	sadd.s32 s14, s13;
	[sflag:s10] =	ssyncadd.s32 $0xFFFF9800  }
0x14: {  	[hbm4b:s11+s2] =	stream.linear.scatter [tilespmem:s5], [sflag:$0x3], $0x6800, $0x38;
	[tilespmem:$0x13800] =	vst v63  }
0x15: {  	s15 =	smul.u32 $0x34000, s12;
	s12 =	simm.s32 $0xD00;
	s13 =	simm.s32 $0x2  }
0x16: {  	[tilespmem:s5], [sflag:$0x1] =	stream.indirect.gather [hbm4b:s7+s8], $0x10, s12, s8, $0xb8;
	[tilespmem:$0x13800] =	vst v63  }
0x17: {  	s15 =	sshrl.u32 s15, $0x3;
	_ =	swait.ge [sflag:s13], $0x6800  }
0x18: {  	s28 =	sadd.s32 s14, s15;
	[sflag:s13] =	ssyncset.done $0x0  }
0x19: {  	s14 =	sadd.s32 $0xD00, s28;
	[sflag:s13] =	ssyncadd.s32 $0xFFFF9800  }
0x1a: {  	[hbm4b:s14+s2] =	stream.linear.scatter [tilespmem:s9], [sflag:$0x4], $0x6800, $0x38;
	[tilespmem:$0x13800] =	vst v63  }
0x1b: {  	s15 =	simm.s32 $0x1380  }
0x1c: {  	[tilespmem:s9], [sflag:$0x2] =	stream.indirect.gather [hbm4b:s7+s8], $0x10, s15, s8, $0xb8;
	[tilespmem:$0x13800] =	vst v63  }
0x1d: {  	_ =	swait.ge [sflag:s10], $0x6800  }
0x1e: {  	[sflag:s10] =	ssyncset.done $0x0  }
0x1f: {  	s16 =	simm.s32 $0x3;
	[sflag:s10] =	ssyncadd.s32 $0xFFFF9800  }
0x20: {  	_ =	swait.ge [sflag:s16], $0x6800  }
0x21: {  	[sflag:s16] =	ssyncset.done $0x0  }
0x22: {  	s17 =	sadd.s32 $0x1A00, s28;
	[sflag:s16] =	ssyncadd.s32 $0xFFFF9800  }
0x23: {  	[hbm4b:s17+s2] =	stream.linear.scatter [tilespmem:s5], [sflag:$0x3], $0x6800, $0x38;
	[tilespmem:$0x13800] =	vst v63  }
0x24: {  	s18 =	simm.s32 $0x1A00  }
0x25: {  	[tilespmem:s5], [sflag:$0x1] =	stream.indirect.gather [hbm4b:s7+s8], $0x10, s18, s8, $0xb8;
	[tilespmem:$0x13800] =	vst v63  }
0x26: {  	_ =	swait.ge [sflag:s13], $0x6800  }
0x27: {  	[sflag:s13] =	ssyncset.done $0x0  }
0x28: {  	s19 =	simm.s32 $0x4;
	[sflag:s13] =	ssyncadd.s32 $0xFFFF9800  }
0x29: {  	_ =	swait.ge [sflag:s19], $0x6800  }
0x2a: {  	[sflag:s19] =	ssyncset.done $0x0  }
0x2b: {  	s20 =	sadd.s32 $0x2700, s28;
	[sflag:s19] =	ssyncadd.s32 $0xFFFF9800  }
0x2c: {  	[hbm4b:s20+s2] =	stream.linear.scatter [tilespmem:s9], [sflag:$0x4], $0x6800, $0x38;
	[tilespmem:$0x13800] =	vst v63  }
0x2d: {  	s21 =	simm.s32 $0x2080  }
0x2e: {  	[tilespmem:s9], [sflag:$0x2] =	stream.indirect.gather [hbm4b:s7+s8], $0x10, s21, s8, $0xb8;
	[tilespmem:$0x13800] =	vst v63  }
0x2f: {  	_ =	swait.ge [sflag:s10], $0x6800  }
0x30: {  	[sflag:s10] =	ssyncset.done $0x0  }
0x31: {  	[sflag:s10] =	ssyncadd.s32 $0xFFFF9800  }
0x32: {  	_ =	swait.ge [sflag:s16], $0x6800  }
0x33: {  	[sflag:s16] =	ssyncset.done $0x0  }
0x34: {  	s22 =	sadd.s32 $0x3400, s28;
	[sflag:s16] =	ssyncadd.s32 $0xFFFF9800  }
0x35: {  	[hbm4b:s22+s2] =	stream.linear.scatter [tilespmem:s5], [sflag:$0x3], $0x6800, $0x38;
	[tilespmem:$0x13800] =	vst v63  }
0x36: {  	s23 =	simm.s32 $0x2700  }
0x37: {  	[tilespmem:s5], [sflag:$0x1] =	stream.indirect.gather [hbm4b:s7+s8], $0x10, s23, s8, $0xb8;
	[tilespmem:$0x13800] =	vst v63  }
0x38: {  	_ =	swait.ge [sflag:s13], $0x6800  }
0x39: {  	[sflag:s13] =	ssyncset.done $0x0  }
0x3a: {  	[sflag:s13] =	ssyncadd.s32 $0xFFFF9800  }
0x3b: {  	_ =	swait.ge [sflag:s19], $0x6800  }
0x3c: {  	[sflag:s19] =	ssyncset.done $0x0  }
0x3d: {  	s24 =	sadd.s32 $0x4100, s28;
	[sflag:s19] =	ssyncadd.s32 $0xFFFF9800  }
0x3e: {  	[hbm4b:s24+s2] =	stream.linear.scatter [tilespmem:s9], [sflag:$0x4], $0x6800, $0x38;
	[tilespmem:$0x13800] =	vst v63  }
0x3f: {  	s25 =	simm.s32 $0x2D80  }
0x40: {  	[tilespmem:s9], [sflag:$0x2] =	stream.indirect.gather [hbm4b:s7+s8], $0x10, s25, s8, $0xb8;
	[tilespmem:$0x13800] =	vst v63  }
0x41: {  	_ =	swait.ge [sflag:s10], $0x6800  }
0x42: {  	[sflag:s10] =	ssyncset.done $0x0  }
0x43: {  	[sflag:s10] =	ssyncadd.s32 $0xFFFF9800  }
0x44: {  	_ =	swait.ge [sflag:s16], $0x6800  }
0x45: {  	[sflag:s16] =	ssyncset.done $0x0  }
0x46: {  	s26 =	sadd.s32 $0x4E00, s28;
	[sflag:s16] =	ssyncadd.s32 $0xFFFF9800  }
0x47: {  	[hbm4b:s26+s2] =	stream.linear.scatter [tilespmem:s5], [sflag:$0x3], $0x6800, $0x38;
	[tilespmem:$0x13800] =	vst v63  }
0x48: {  	_ =	swait.ge [sflag:s13], $0x6800  }
0x49: {  	[sflag:s13] =	ssyncset.done $0x0  }
0x4a: {  	[sflag:s13] =	ssyncadd.s32 $0xFFFF9800  }
0x4b: {  	_ =	swait.ge [sflag:s19], $0x6800  }
0x4c: {  	[sflag:s19] =	ssyncset.done $0x0  }
0x4d: {  	s28 =	sadd.s32 $0x5B00, s28;
	[sflag:s19] =	ssyncadd.s32 $0xFFFF9800  }
0x4e: {  	[hbm4b:s28+s2] =	stream.linear.scatter [tilespmem:s9], [sflag:$0x4], $0x6800, $0x38;
	[tilespmem:$0x13800] =	vst v63  }
0x4f: {  	_ =	swait.ge [sflag:s16], $0x6800  }
0x50: {  	[sflag:s16] =	ssyncset.done $0x0  }
0x51: {  	s31 =	ssub.s32 $0x2, s29;
	[sflag:s16] =	ssyncadd.s32 $0xFFFF9800  }
0x52: {  	s1 =	sshrl.u32 s31, $0x1;
	_ =	swait.ge [sflag:s19], $0x6800  }
0x53: {  	s1 =	ssub.s32 s31, s1;
	[sflag:s19] =	ssyncset.done $0x0  }
0x54: {  	s29 =	simm.s32 $0x5;
	s1 =	smax.u32 s1, $0x1;
	[sflag:s19] =	ssyncadd.s32 $0xFFFF9800  }
0x55: {  	p0 =	sne.s32 s1, $0x1;
	_ =	swait.ge [sflag:s29], $0x3400  }
.Ltmp0:
0x56: {  	[sflag:s29] =	ssyncset.done $0x0;
	(pc) =	sbr.rel @!p0 .LBB2_2-.Ltmp0, $4  }
0x57: {  	s30 =	sadd.s32 $0xE0600, s30;
	[sflag:s29] =	ssyncadd.s32 $0xFFFFCC00  }
0x58: {  	[hbm4b:s30+s2] =	stream.linear.scatter [tilespmem:s6], [sflag:$0x6], $0x3400, $0x38;
	[tilespmem:$0x13800] =	vst v63  }
0x59: {  	_ =	swait.ge [sflag:s3], $0x3400  }
0x5a: {  	s31 =	sadd.s32 $0xFFFFFFFF, s1;
	[sflag:s3] =	ssyncset.done $0x0  }
.LBB2_1:
0x5b: {  	[sflag:s3] =	ssyncadd.s32 $0xFFFFCC00  }
0x5c: {  	[tilespmem:s2], [sflag:$0x6] =	stream.linear.gather [hbm4b:s4+s2], $0x3400, $0x38;
	[tilespmem:$0x13800] =	vst v63  }
0x5d: {  	_ =	swait.ge [sflag:s3], $0x3400  }
0x5e: {  	[sflag:s3] =	ssyncset.done $0x0  }
0x5f: {  	s1 =	rddreg [dreg:$0x3];
	[sflag:s3] =	ssyncadd.s32 $0xFFFFCC00  }
0x60: {  	[tilespmem:s6], [sflag:$0x5] =	stream.indirect.gather [hbm4b:s1+s5], $0x1, s2, s5, $0xb8;
	[tilespmem:$0x13800] =	vst v63  }
0x61: {  	_ = 	snop  }
0x62: {  	[tilespmem:s5], [sflag:$0x1] =	stream.indirect.gather [hbm4b:s7+s8], $0x10, s2, s8, $0xb8;
	[tilespmem:$0x13800] =	vst v63  }
0x63: {  	_ = 	snop  }
0x64: {  	[tilespmem:s9], [sflag:$0x2] =	stream.indirect.gather [hbm4b:s7+s8], $0x10, s8, s8, $0xb8;
	[tilespmem:$0x13800] =	vst v63  }
0x65: {  	_ =	swait.ge [sflag:s10], $0x6800  }
0x66: {  	[sflag:s10] =	ssyncset.done $0x0  }
0x67: {  	[sflag:s10] =	ssyncadd.s32 $0xFFFF9800  }
0x68: {  	[hbm4b:s11+s2] =	stream.linear.scatter [tilespmem:s5], [sflag:$0x3], $0x6800, $0x38;
	[tilespmem:$0x13800] =	vst v63  }
0x69: {  	_ = 	snop  }
0x6a: {  	[tilespmem:s5], [sflag:$0x1] =	stream.indirect.gather [hbm4b:s7+s8], $0x10, s12, s8, $0xb8;
	[tilespmem:$0x13800] =	vst v63  }
0x6b: {  	_ =	swait.ge [sflag:s13], $0x6800  }
0x6c: {  	[sflag:s13] =	ssyncset.done $0x0  }
0x6d: {  	[sflag:s13] =	ssyncadd.s32 $0xFFFF9800  }
0x6e: {  	[hbm4b:s14+s2] =	stream.linear.scatter [tilespmem:s9], [sflag:$0x4], $0x6800, $0x38;
	[tilespmem:$0x13800] =	vst v63  }
0x6f: {  	_ = 	snop  }
0x70: {  	[tilespmem:s9], [sflag:$0x2] =	stream.indirect.gather [hbm4b:s7+s8], $0x10, s15, s8, $0xb8;
	[tilespmem:$0x13800] =	vst v63  }
0x71: {  	_ =	swait.ge [sflag:s10], $0x6800  }
0x72: {  	[sflag:s10] =	ssyncset.done $0x0  }
0x73: {  	[sflag:s10] =	ssyncadd.s32 $0xFFFF9800  }
0x74: {  	_ =	swait.ge [sflag:s16], $0x6800  }
0x75: {  	[sflag:s16] =	ssyncset.done $0x0  }
0x76: {  	[sflag:s16] =	ssyncadd.s32 $0xFFFF9800  }
0x77: {  	[hbm4b:s17+s2] =	stream.linear.scatter [tilespmem:s5], [sflag:$0x3], $0x6800, $0x38;
	[tilespmem:$0x13800] =	vst v63  }
0x78: {  	_ = 	snop  }
0x79: {  	[tilespmem:s5], [sflag:$0x1] =	stream.indirect.gather [hbm4b:s7+s8], $0x10, s18, s8, $0xb8;
	[tilespmem:$0x13800] =	vst v63  }
0x7a: {  	_ =	swait.ge [sflag:s13], $0x6800  }
0x7b: {  	[sflag:s13] =	ssyncset.done $0x0  }
0x7c: {  	[sflag:s13] =	ssyncadd.s32 $0xFFFF9800  }
0x7d: {  	_ =	swait.ge [sflag:s19], $0x6800  }
0x7e: {  	[sflag:s19] =	ssyncset.done $0x0  }
0x7f: {  	[sflag:s19] =	ssyncadd.s32 $0xFFFF9800  }
0x80: {  	[hbm4b:s20+s2] =	stream.linear.scatter [tilespmem:s9], [sflag:$0x4], $0x6800, $0x38;
	[tilespmem:$0x13800] =	vst v63  }
0x81: {  	_ = 	snop  }
0x82: {  	[tilespmem:s9], [sflag:$0x2] =	stream.indirect.gather [hbm4b:s7+s8], $0x10, s21, s8, $0xb8;
	[tilespmem:$0x13800] =	vst v63  }
0x83: {  	_ =	swait.ge [sflag:s10], $0x6800  }
0x84: {  	[sflag:s10] =	ssyncset.done $0x0  }
0x85: {  	[sflag:s10] =	ssyncadd.s32 $0xFFFF9800  }
0x86: {  	_ =	swait.ge [sflag:s16], $0x6800  }
0x87: {  	[sflag:s16] =	ssyncset.done $0x0  }
0x88: {  	[sflag:s16] =	ssyncadd.s32 $0xFFFF9800  }
0x89: {  	[hbm4b:s22+s2] =	stream.linear.scatter [tilespmem:s5], [sflag:$0x3], $0x6800, $0x38;
	[tilespmem:$0x13800] =	vst v63  }
0x8a: {  	_ = 	snop  }
0x8b: {  	[tilespmem:s5], [sflag:$0x1] =	stream.indirect.gather [hbm4b:s7+s8], $0x10, s23, s8, $0xb8;
	[tilespmem:$0x13800] =	vst v63  }
0x8c: {  	_ =	swait.ge [sflag:s13], $0x6800  }
0x8d: {  	[sflag:s13] =	ssyncset.done $0x0  }
0x8e: {  	[sflag:s13] =	ssyncadd.s32 $0xFFFF9800  }
0x8f: {  	_ =	swait.ge [sflag:s19], $0x6800  }
0x90: {  	[sflag:s19] =	ssyncset.done $0x0  }
0x91: {  	[sflag:s19] =	ssyncadd.s32 $0xFFFF9800  }
0x92: {  	[hbm4b:s24+s2] =	stream.linear.scatter [tilespmem:s9], [sflag:$0x4], $0x6800, $0x38;
	[tilespmem:$0x13800] =	vst v63  }
0x93: {  	_ = 	snop  }
0x94: {  	[tilespmem:s9], [sflag:$0x2] =	stream.indirect.gather [hbm4b:s7+s8], $0x10, s25, s8, $0xb8;
	[tilespmem:$0x13800] =	vst v63  }
0x95: {  	_ =	swait.ge [sflag:s10], $0x6800  }
0x96: {  	[sflag:s10] =	ssyncset.done $0x0  }
0x97: {  	[sflag:s10] =	ssyncadd.s32 $0xFFFF9800  }
0x98: {  	_ =	swait.ge [sflag:s16], $0x6800  }
0x99: {  	[sflag:s16] =	ssyncset.done $0x0  }
0x9a: {  	[sflag:s16] =	ssyncadd.s32 $0xFFFF9800  }
0x9b: {  	[hbm4b:s26+s2] =	stream.linear.scatter [tilespmem:s5], [sflag:$0x3], $0x6800, $0x38;
	[tilespmem:$0x13800] =	vst v63  }
0x9c: {  	_ =	swait.ge [sflag:s13], $0x6800  }
0x9d: {  	[sflag:s13] =	ssyncset.done $0x0  }
0x9e: {  	[sflag:s13] =	ssyncadd.s32 $0xFFFF9800  }
0x9f: {  	_ =	swait.ge [sflag:s19], $0x6800  }
0xa0: {  	[sflag:s19] =	ssyncset.done $0x0  }
0xa1: {  	[sflag:s19] =	ssyncadd.s32 $0xFFFF9800  }
0xa2: {  	[hbm4b:s28+s2] =	stream.linear.scatter [tilespmem:s9], [sflag:$0x4], $0x6800, $0x38;
	[tilespmem:$0x13800] =	vst v63  }
0xa3: {  	_ =	swait.ge [sflag:s16], $0x6800  }
0xa4: {  	[sflag:s16] =	ssyncset.done $0x0  }
0xa5: {  	[sflag:s16] =	ssyncadd.s32 $0xFFFF9800  }
0xa6: {  	_ =	swait.ge [sflag:s19], $0x6800  }
0xa7: {  	[sflag:s19] =	ssyncset.done $0x0  }
0xa8: {  	[sflag:s19] =	ssyncadd.s32 $0xFFFF9800  }
0xa9: {  	p0 =	sne.s32 s31, $0x1;
	_ =	swait.ge [sflag:s29], $0x3400  }
.Ltmp1:
0xaa: {  	[sflag:s29] =	ssyncset.done $0x0;
	(pc) =	sbr.rel @p0 .LBB2_1-.Ltmp1, $4  }
0xab: {  	[sflag:s29] =	ssyncadd.s32 $0xFFFFCC00  }
0xac: {  	[hbm4b:s30+s2] =	stream.linear.scatter [tilespmem:s6], [sflag:$0x6], $0x3400, $0x38;
	[tilespmem:$0x13800] =	vst v63  }
0xad: {  	_ =	swait.ge [sflag:s3], $0x3400  }
0xae: {  	s31 =	sadd.s32 $0xFFFFFFFF, s31;
	[sflag:s3] =	ssyncset.done $0x0  }
.LBB2_2:
0xaf: {  	[sflag:s3] =	ssyncadd.s32 $0xFFFFCC00  }
0xb0: {  	_ =	sfence.sel $0x180000  }
0xb1: {  	[bflag:$0x0] =	sbarrier.arrive $0xFFFF  }
0xb2: {  	_ =	strace $0x90000047  }
0xb3: {  	[bflag:$0x2] =	sbarrier.arrive $0xFFFF  }
0xb4: {  	p0 =	sne.s32 s0, $0x0;
	s0 =	rddreg [dreg:$0x2]  }
0xb5: {  	s0 =	sadd.s32 @!p0 $0x100000, s0  }
0xb6: {  	[sflag:s0] =	ssyncadd.tile.s32 @!p0 $0x1;
	_ =	shalt  }
.Lfunc_end2:
_tile_overlayer_lowered:
.L_overlay_start_2:
0xb7: {  	(tag) =	ssettag $0x2  }
0xb8: {  	s0 =	rddreg [dreg:$0x0];
	s2 =	stileid.u32  }
0xb9: {  	s1 =	rddreg [dreg:$0x1];
	p0 =	sne.s32 s2, $0x0  }
0xba: {  	s3 =	rddreg [dreg:$0x2];
	[bflag:$0x3] =	sbarrier.arrive $0xFFFF;
	s2 =	simm.s32 @!p0 $0x1C06  }
0xbb: {  	[timem:s3], [sflag:s2] =	dma.local @!p0 [hbm:s0], s1  }
0xbc: {  	s0 =	simm.s32 @!p0 $0x6  }
0xbd: {  	_ =	swait.ge @!p0 [sflag:s0], s1  }
0xbe: {  	s1 =	ssub.s32 @!p0 $0x0, s1;
	[sflag:s0] =	ssyncset.done @!p0 $0x0  }
0xbf: {  	[sflag:s0] =	ssyncadd.s32 @!p0 s1  }
0xc0: {  	[bflag:$0x3] =	sbarrier.arrive $0xFFFF  }
0xc1: {  	_ =	shalt  }

</sc_bundles>
